<compile_context>
chip_gen: v7x
topology: tpu7x:2x2x1
jax: 0.10.2.dev20260603
libtpu: 0.0.44.dev20260713+nightly
codegen_flags: <defaults>
</compile_context>

<pallas_src>
import functools

import jax
import jax.numpy as jnp
from jax import lax
from jax.experimental import pallas as pl
from jax.experimental.pallas import tpu as pltpu
from jax.experimental.pallas import tpu_sc as plsc

IOU_T = 0.7
SCORE_T = 0.5
_N = 20000
_B = 640
_NB = (_N + _B - 1) // _B
_NP = _NB * _B


def _col_bcast(row_vec, b):
    return lax.broadcast_in_dim(jnp.squeeze(row_vec, axis=0), (b, b), (0,))


def _row_coords(ref, j):
    brj = ref[j]
    x1 = brj[0:1, :] - brj[2:3, :] * 0.5
    y1 = brj[1:2, :] - brj[3:4, :] * 0.5
    x2 = brj[0:1, :] + brj[2:3, :] * 0.5
    y2 = brj[1:2, :] + brj[3:4, :] * 0.5
    return (x1, y1, x2, y2, (x2 - x1) * (y2 - y1))


def _tile_overlap(colt, rowc):
    x1c, y1c, x2c, y2c, ac = colt
    x1r, y1r, x2r, y2r, ar = rowc
    xx1 = jnp.maximum(x1c, x1r)
    yy1 = jnp.maximum(y1c, y1r)
    xx2 = jnp.minimum(x2c, x2r)
    yy2 = jnp.minimum(y2c, y2r)
    w = jnp.maximum(xx2 - xx1, 0.0)
    h = jnp.maximum(yy2 - yy1, 0.0)
    inter = w * h
    iou = inter / (ac + ar - inter + 1e-9)
    return iou > IOU_T


def _nms_kernel_body(br_ref, keep_ref, supp_ref, *, b, nb):
    keep_ref[...] = jnp.zeros_like(keep_ref)
    supp_ref[...] = jnp.zeros_like(supp_ref)

    scores_all = br_ref[...][:, 4:5, :]
    m = jnp.sum((scores_all > SCORE_T).astype(jnp.int32))
    nbv = lax.div(m + (b - 1), b)

    def outer(k, carry):
        rowk = _row_coords(br_ref, k)
        colt = tuple(_col_bcast(v, b) for v in rowk)
        over_kk = _tile_overlap(colt, rowk)
        ii = lax.broadcasted_iota(jnp.int32, (b, b), 0)
        jj = lax.broadcasted_iota(jnp.int32, (b, b), 1)
        okk = jnp.where(over_kk & (jj > ii), 1.0, 0.0)

        sk = br_ref[k][4:5, :]
        alive = jnp.where((sk > SCORE_T) & (supp_ref[k] == 0.0), 1.0, 0.0)

        def fp_step(cur):
            s = jnp.dot(cur, okk, preferred_element_type=jnp.float32)
            return alive * jnp.where(s > 0.0, 0.0, 1.0)

        def fp_cond(c):
            prev, cur = c
            return jnp.any(prev != cur)

        def fp_body(c):
            _, cur = c
            return (cur, fp_step(cur))

        _, keep = lax.while_loop(fp_cond, fp_body, (alive, fp_step(alive)))
        keep_ref[k] = keep

        def inner(j, carry):
            over = _tile_overlap(colt, _row_coords(br_ref, j))
            o = jnp.where(over, 1.0, 0.0)
            s = jnp.dot(keep, o, preferred_element_type=jnp.float32)
            supp_ref[j] = jnp.maximum(supp_ref[j], jnp.where(s > 0.0, 1.0, 0.0))
            return carry

        return lax.fori_loop(k + 1, nbv, inner, carry)

    lax.fori_loop(0, nbv, outer, 0)


def _nms_sorted(br5, b, nb):
    return pl.pallas_call(
        functools.partial(_nms_kernel_body, b=b, nb=nb),
        out_shape=jax.ShapeDtypeStruct((nb, 1, b), jnp.float32),
        scratch_shapes=[pltpu.VMEM((nb, 1, b), jnp.float32)],
    )(br5)


_NW = 32
_CHUNK = _B // 16


def _sc_mesh():
    return plsc.VectorSubcoreMesh(core_axis_name="c", subcore_axis_name="s")


def _sc_gather_body(flat5_hbm, orderp_hbm, out_hbm, spm, tbl_v, idx_v, out_v):
    s = lax.axis_index("s")
    c = lax.axis_index("c")
    w = s * 2 + c

    @pl.when(s == 0)
    def _stage():
        pltpu.sync_copy(flat5_hbm, spm)

    plsc.subcore_barrier()
    pltpu.sync_copy(spm, tbl_v)
    pltpu.sync_copy(orderp_hbm.at[pl.ds(w * _B, _B)], idx_v)

    def step(t, carry):
        idx = idx_v[pl.ds(t * 16, 16)]
        idxc = jnp.minimum(idx, _N - 1)
        for comp in range(4):
            out_v[pl.ds(comp * _B + t * 16, 16)] = plsc.load_gather(
                tbl_v, [idxc + comp * _N])
        sv = plsc.load_gather(tbl_v, [idxc + 4 * _N])
        pos = w * _B + t * 16 + lax.broadcasted_iota(jnp.int32, (16,), 0)
        out_v[pl.ds(4 * _B + t * 16, 16)] = jnp.where(pos < _N, sv, -1.0)
        return carry

    lax.fori_loop(0, _CHUNK, step, 0)
    pltpu.sync_copy(out_v, out_hbm.at[pl.ds(w * 5 * _B, 5 * _B)])


def _sc_gather(flat5, orderp):
    k = pl.kernel(
        _sc_gather_body,
        out_type=jax.ShapeDtypeStruct((_NW * 5 * _B,), jnp.float32),
        mesh=_sc_mesh(),
        compiler_params=pltpu.CompilerParams(needs_layout_passes=False),
        scratch_types=[
            pltpu.VMEM_SHARED((5 * _N,), jnp.float32),
            pltpu.VMEM((5 * _N,), jnp.float32),
            pltpu.VMEM((_B,), jnp.int32),
            pltpu.VMEM((5 * _B,), jnp.float32),
        ],
    )
    return k(flat5, orderp)


def _sc_scatter_body(keep_hbm, order3_hbm, out_hbm, idx_v, vals_v, sem):
    s = lax.axis_index("s")
    c = lax.axis_index("c")
    w = s * 2 + c
    for r in range(5):
        pltpu.sync_copy(keep_hbm.at[pl.ds(w * _B + r * 128, 128)], vals_v.at[r])
        pltpu.sync_copy(order3_hbm.at[pl.ds(w * _B + r * 128, 128)], idx_v.at[r])
    copies = [
        pltpu.async_copy(vals_v.at[r], out_hbm.at[idx_v.at[r]], sem)
        for r in range(5)
    ]
    for d in copies:
        d.wait()


def _sc_scatter(keep3, order3):
    k = pl.kernel(
        _sc_scatter_body,
        out_type=jax.ShapeDtypeStruct((_NP,), jnp.float32),
        mesh=_sc_mesh(),
        scratch_types=[
            pltpu.VMEM((5, 128), jnp.int32),
            pltpu.VMEM((5, 128), jnp.float32),
            pltpu.SemaphoreType.DMA,
        ],
    )
    return k(keep3, order3)


def kernel(boxes, scores):
    order = jnp.argsort(-scores)
    orderp = jnp.concatenate(
        [order.astype(jnp.int32), jnp.arange(_N, _NP, dtype=jnp.int32)])
    flat5 = jnp.concatenate([boxes.T, scores[None, :]], axis=0).reshape(5 * _N)
    br5 = _sc_gather(flat5, orderp).reshape(_NB, 5, _B)
    keep3 = _nms_sorted(br5, _B, _NB)
    keep_r = keep3.reshape(_NP)
    order3 = orderp
    keepf = _sc_scatter(keep_r, order3)[:_N]
    return jnp.concatenate([boxes * keepf[:, None], (scores * keepf)[:, None]],
                           axis=1)

# --- scband reference (transcript-rebuilt; emitter-appended) ---
"""Pipeline reference for scband-rpn-37486474559704 (READ-ONLY COPY).

The authoritative reference and input builder live on the scoring server;
editing this copy changes nothing except your own understanding.
"""

import jax, jax.numpy as jnp
import numpy as np

IOU_THRES = 0.7
SCORE_THRES = 0.5


def setup_inputs(seed: int = 0) -> dict:
    key = jax.random.key(seed)
    k1, k2 = jax.random.split(key)
    boxes = jax.random.uniform(k1, (20000, 4), dtype=jnp.float32)
    scores = jax.random.uniform(k2, (20000,), dtype=jnp.float32)
    return {"boxes": boxes, "scores": scores}


def _nms_keep(boxes, scores, iou_thres, score_thres):
    # Greedy NMS over xywh (center-format) boxes, as in RPN.region_proposal_threshold -> nms().
    N = boxes.shape[0]
    order = jnp.argsort(-scores)
    b = boxes[order]
    x1 = b[:, 0] - b[:, 2] / 2.0
    y1 = b[:, 1] - b[:, 3] / 2.0
    x2 = b[:, 0] + b[:, 2] / 2.0
    y2 = b[:, 1] + b[:, 3] / 2.0
    areas = (x2 - x1) * (y2 - y1)
    idxs = jnp.arange(N)

    def body(keep, i):
        xx1 = jnp.maximum(x1[i], x1)
        yy1 = jnp.maximum(y1[i], y1)
        xx2 = jnp.minimum(x2[i], x2)
        yy2 = jnp.minimum(y2[i], y2)
        w = jnp.maximum(xx2 - xx1, 0.0)
        h = jnp.maximum(yy2 - yy1, 0.0)
        inter = w * h
        iou = inter / (areas[i] + areas - inter + 1e-9)
        suppress = (iou > iou_thres) & (idxs > i) & keep[i]
        return keep & (~suppress), None

    keep_sorted, _ = jax.lax.scan(body, jnp.ones((N,), dtype=bool), idxs)
    keep = jnp.zeros((N,), dtype=bool).at[order].set(keep_sorted)
    keep = keep & (scores > score_thres)
    return keep


def reference(boxes, scores):
    # Score thresholding + greedy NMS; survivors kept (suppressed proposals zeroed
    # so output shape is static [N, 5] = [kept boxes | kept scores]).
    keep = _nms_keep(jax.lax.stop_gradient(boxes), jax.lax.stop_gradient(scores), IOU_THRES, SCORE_THRES)
    keepf = keep.astype(boxes.dtype)
    out = jnp.concatenate([boxes * keepf[:, None], (scores * keepf)[:, None]], axis=1)
    return out

if __name__ == "__main__":
    import jax
    _d = setup_inputs()
    print(jax.jit(kernel)(*tuple(_d.values())))

</pallas_src>

<mosaic_0001>
#map = affine_map<(d0, d1) -> (0)>
module attributes {stable_mosaic.version = 14 : i64} {
  func.func @_sc_scatter_body(%arg0: i32, %arg1: i32, %arg2: memref<20480xf32, #tpu.memory_space<hbm>>, %arg3: memref<20480xi32, #tpu.memory_space<hbm>>, %arg4: memref<20480xf32, #tpu.memory_space<hbm>>, %arg5: memref<5x128xi32, #tpu.memory_space<vmem>>, %arg6: memref<5x128xf32, #tpu.memory_space<vmem>>, %arg7: memref<!tpu.dma_semaphore, #tpu.memory_space<semaphore_mem>>) attributes {dimension_semantics = [#tpu.dimension_semantics<core_parallel>, #tpu.dimension_semantics<subcore_parallel>], iteration_bounds = array<i64: 2, 16>, scalar_prefetch = 0 : i64, scratch_operands = 3 : i64, tpu.core_type = #tpu.core_type<sc_vector_subcore>, window_params = [{transform_indices = #map}, {transform_indices = #map}, {transform_indices = #map}]} {
    %mul3A = arith.constant 2 : i32
    %mul3A_0 = arith.muli %arg1, %mul3A : i32
    %add3A = arith.addi %mul3A_0, %arg0 : i32
    %mul3A_1 = arith.constant 640 : i32
    %mul3A_2 = arith.muli %add3A, %mul3A_1 : i32
    %add3A_3 = arith.constant 0 : i32
    %add3A_4 = arith.addi %mul3A_2, %add3A_3 : i32
    %run_scoped3A = arith.constant 0 : i32
    "tpu.region"() ({
      %run_scoped3A_148 = tpu.sem_alloc : memref<!tpu.dma_semaphore, #tpu.memory_space<semaphore_mem>>
      %dma_start3A_149 = arith.constant 0 : i32
      %dma_start3A_150 = tpu.memref_slice %arg6[%run_scoped3A, %dma_start3A_149] : memref<5x128xf32, #tpu.memory_space<vmem>> -> memref<1x128xf32, #tpu.memory_space<vmem>>
      %dma_start3A_151 = tpu.memref_squeeze %dma_start3A_150 : memref<1x128xf32, #tpu.memory_space<vmem>> -> memref<128xf32, #tpu.memory_space<vmem>>
      %dma_start3A_152 = tpu.memref_slice %arg2[%add3A_4] : memref<20480xf32, #tpu.memory_space<hbm>> -> memref<128xf32, #tpu.memory_space<hbm>>
      %dma_start3A_153 = arith.constant 0 : i32
      %dma_start3A_154 = tpu.memref_slice %arg6[%run_scoped3A, %dma_start3A_153] : memref<5x128xf32, #tpu.memory_space<vmem>> -> memref<1x128xf32, #tpu.memory_space<vmem>>
      %dma_start3A_155 = tpu.memref_squeeze %dma_start3A_154 : memref<1x128xf32, #tpu.memory_space<vmem>> -> memref<128xf32, #tpu.memory_space<vmem>>
      %dma_start3A_156 = tpu.memref_slice %arg2[%add3A_4] : memref<20480xf32, #tpu.memory_space<hbm>> -> memref<128xf32, #tpu.memory_space<hbm>>
      tpu.enqueue_dma source(%dma_start3A_156 : memref<128xf32, #tpu.memory_space<hbm>>) target(%dma_start3A_155 : memref<128xf32, #tpu.memory_space<vmem>>) target_semaphore(%run_scoped3A_148 : memref<!tpu.dma_semaphore, #tpu.memory_space<semaphore_mem>>)
      %dma_wait3A_157 = arith.constant 0 : i32
      %dma_wait3A_158 = tpu.memref_slice %arg6[%run_scoped3A, %dma_wait3A_157] : memref<5x128xf32, #tpu.memory_space<vmem>> -> memref<1x128xf32, #tpu.memory_space<vmem>>
      %dma_wait3A_159 = tpu.memref_squeeze %dma_wait3A_158 : memref<1x128xf32, #tpu.memory_space<vmem>> -> memref<128xf32, #tpu.memory_space<vmem>>
      %dma_wait3A_160 = tpu.memref_slice %arg2[%add3A_4] : memref<20480xf32, #tpu.memory_space<hbm>> -> memref<128xf32, #tpu.memory_space<hbm>>
      %dma_wait3A_161 = arith.constant 0 : i32
      %dma_wait3A_162 = tpu.memref_slice %arg6[%run_scoped3A, %dma_wait3A_161] : memref<5x128xf32, #tpu.memory_space<vmem>> -> memref<1x128xf32, #tpu.memory_space<vmem>>
      %dma_wait3A_163 = tpu.memref_squeeze %dma_wait3A_162 : memref<1x128xf32, #tpu.memory_space<vmem>> -> memref<128xf32, #tpu.memory_space<vmem>>
      %dma_wait3A_164 = tpu.memref_slice %arg2[%add3A_4] : memref<20480xf32, #tpu.memory_space<hbm>> -> memref<128xf32, #tpu.memory_space<hbm>>
      tpu.wait_dma2 semaphore(%run_scoped3A_148 : memref<!tpu.dma_semaphore, #tpu.memory_space<semaphore_mem>>) src(%dma_wait3A_164 : memref<128xf32, #tpu.memory_space<hbm>>) dst(%dma_wait3A_163 : memref<128xf32, #tpu.memory_space<vmem>>)
      tpu.yield
    }) : () -> ()
    %mul3A_5 = arith.constant 640 : i32
    %mul3A_6 = arith.muli %add3A, %mul3A_5 : i32
    %add3A_7 = arith.constant 0 : i32
    %add3A_8 = arith.addi %mul3A_6, %add3A_7 : i32
    %run_scoped3A_9 = arith.constant 0 : i32
    "tpu.region"() ({
      %run_scoped3A_148 = tpu.sem_alloc : memref<!tpu.dma_semaphore, #tpu.memory_space<semaphore_mem>>
      %dma_start3A_149 = arith.constant 0 : i32
      %dma_start3A_150 = tpu.memref_slice %arg5[%run_scoped3A_9, %dma_start3A_149] : memref<5x128xi32, #tpu.memory_space<vmem>> -> memref<1x128xi32, #tpu.memory_space<vmem>>
      %dma_start3A_151 = tpu.memref_squeeze %dma_start3A_150 : memref<1x128xi32, #tpu.memory_space<vmem>> -> memref<128xi32, #tpu.memory_space<vmem>>
      %dma_start3A_152 = tpu.memref_slice %arg3[%add3A_8] : memref<20480xi32, #tpu.memory_space<hbm>> -> memref<128xi32, #tpu.memory_space<hbm>>
      %dma_start3A_153 = arith.constant 0 : i32
      %dma_start3A_154 = tpu.memref_slice %arg5[%run_scoped3A_9, %dma_start3A_153] : memref<5x128xi32, #tpu.memory_space<vmem>> -> memref<1x128xi32, #tpu.memory_space<vmem>>
      %dma_start3A_155 = tpu.memref_squeeze %dma_start3A_154 : memref<1x128xi32, #tpu.memory_space<vmem>> -> memref<128xi32, #tpu.memory_space<vmem>>
      %dma_start3A_156 = tpu.memref_slice %arg3[%add3A_8] : memref<20480xi32, #tpu.memory_space<hbm>> -> memref<128xi32, #tpu.memory_space<hbm>>
      tpu.enqueue_dma source(%dma_start3A_156 : memref<128xi32, #tpu.memory_space<hbm>>) target(%dma_start3A_155 : memref<128xi32, #tpu.memory_space<vmem>>) target_semaphore(%run_scoped3A_148 : memref<!tpu.dma_semaphore, #tpu.memory_space<semaphore_mem>>)
      %dma_wait3A_157 = arith.constant 0 : i32
      %dma_wait3A_158 = tpu.memref_slice %arg5[%run_scoped3A_9, %dma_wait3A_157] : memref<5x128xi32, #tpu.memory_space<vmem>> -> memref<1x128xi32, #tpu.memory_space<vmem>>
      %dma_wait3A_159 = tpu.memref_squeeze %dma_wait3A_158 : memref<1x128xi32, #tpu.memory_space<vmem>> -> memref<128xi32, #tpu.memory_space<vmem>>
      %dma_wait3A_160 = tpu.memref_slice %arg3[%add3A_8] : memref<20480xi32, #tpu.memory_space<hbm>> -> memref<128xi32, #tpu.memory_space<hbm>>
      %dma_wait3A_161 = arith.constant 0 : i32
      %dma_wait3A_162 = tpu.memref_slice %arg5[%run_scoped3A_9, %dma_wait3A_161] : memref<5x128xi32, #tpu.memory_space<vmem>> -> memref<1x128xi32, #tpu.memory_space<vmem>>
      %dma_wait3A_163 = tpu.memref_squeeze %dma_wait3A_162 : memref<1x128xi32, #tpu.memory_space<vmem>> -> memref<128xi32, #tpu.memory_space<vmem>>
      %dma_wait3A_164 = tpu.memref_slice %arg3[%add3A_8] : memref<20480xi32, #tpu.memory_space<hbm>> -> memref<128xi32, #tpu.memory_space<hbm>>
      tpu.wait_dma2 semaphore(%run_scoped3A_148 : memref<!tpu.dma_semaphore, #tpu.memory_space<semaphore_mem>>) src(%dma_wait3A_164 : memref<128xi32, #tpu.memory_space<hbm>>) dst(%dma_wait3A_163 : memref<128xi32, #tpu.memory_space<vmem>>)
      tpu.yield
    }) : () -> ()
    %mul3A_10 = arith.constant 640 : i32
    %mul3A_11 = arith.muli %add3A, %mul3A_10 : i32
    %add3A_12 = arith.constant 128 : i32
    %add3A_13 = arith.addi %mul3A_11, %add3A_12 : i32
    %run_scoped3A_14 = arith.constant 1 : i32
    "tpu.region"() ({
      %run_scoped3A_148 = tpu.sem_alloc : memref<!tpu.dma_semaphore, #tpu.memory_space<semaphore_mem>>
      %dma_start3A_149 = arith.constant 0 : i32
      %dma_start3A_150 = tpu.memref_slice %arg6[%run_scoped3A_14, %dma_start3A_149] : memref<5x128xf32, #tpu.memory_space<vmem>> -> memref<1x128xf32, #tpu.memory_space<vmem>>
      %dma_start3A_151 = tpu.memref_squeeze %dma_start3A_150 : memref<1x128xf32, #tpu.memory_space<vmem>> -> memref<128xf32, #tpu.memory_space<vmem>>
      %dma_start3A_152 = tpu.memref_slice %arg2[%add3A_13] : memref<20480xf32, #tpu.memory_space<hbm>> -> memref<128xf32, #tpu.memory_space<hbm>>
      %dma_start3A_153 = arith.constant 0 : i32
      %dma_start3A_154 = tpu.memref_slice %arg6[%run_scoped3A_14, %dma_start3A_153] : memref<5x128xf32, #tpu.memory_space<vmem>> -> memref<1x128xf32, #tpu.memory_space<vmem>>
      %dma_start3A_155 = tpu.memref_squeeze %dma_start3A_154 : memref<1x128xf32, #tpu.memory_space<vmem>> -> memref<128xf32, #tpu.memory_space<vmem>>
      %dma_start3A_156 = tpu.memref_slice %arg2[%add3A_13] : memref<20480xf32, #tpu.memory_space<hbm>> -> memref<128xf32, #tpu.memory_space<hbm>>
      tpu.enqueue_dma source(%dma_start3A_156 : memref<128xf32, #tpu.memory_space<hbm>>) target(%dma_start3A_155 : memref<128xf32, #tpu.memory_space<vmem>>) target_semaphore(%run_scoped3A_148 : memref<!tpu.dma_semaphore, #tpu.memory_space<semaphore_mem>>)
      %dma_wait3A_157 = arith.constant 0 : i32
      %dma_wait3A_158 = tpu.memref_slice %arg6[%run_scoped3A_14, %dma_wait3A_157] : memref<5x128xf32, #tpu.memory_space<vmem>> -> memref<1x128xf32, #tpu.memory_space<vmem>>
      %dma_wait3A_159 = tpu.memref_squeeze %dma_wait3A_158 : memref<1x128xf32, #tpu.memory_space<vmem>> -> memref<128xf32, #tpu.memory_space<vmem>>
      %dma_wait3A_160 = tpu.memref_slice %arg2[%add3A_13] : memref<20480xf32, #tpu.memory_space<hbm>> -> memref<128xf32, #tpu.memory_space<hbm>>
      %dma_wait3A_161 = arith.constant 0 : i32
      %dma_wait3A_162 = tpu.memref_slice %arg6[%run_scoped3A_14, %dma_wait3A_161] : memref<5x128xf32, #tpu.memory_space<vmem>> -> memref<1x128xf32, #tpu.memory_space<vmem>>
      %dma_wait3A_163 = tpu.memref_squeeze %dma_wait3A_162 : memref<1x128xf32, #tpu.memory_space<vmem>> -> memref<128xf32, #tpu.memory_space<vmem>>
      %dma_wait3A_164 = tpu.memref_slice %arg2[%add3A_13] : memref<20480xf32, #tpu.memory_space<hbm>> -> memref<128xf32, #tpu.memory_space<hbm>>
      tpu.wait_dma2 semaphore(%run_scoped3A_148 : memref<!tpu.dma_semaphore, #tpu.memory_space<semaphore_mem>>) src(%dma_wait3A_164 : memref<128xf32, #tpu.memory_space<hbm>>) dst(%dma_wait3A_163 : memref<128xf32, #tpu.memory_space<vmem>>)
      tpu.yield
    }) : () -> ()
    %mul3A_15 = arith.constant 640 : i32
    %mul3A_16 = arith.muli %add3A, %mul3A_15 : i32
    %add3A_17 = arith.constant 128 : i32
    %add3A_18 = arith.addi %mul3A_16, %add3A_17 : i32
    %run_scoped3A_19 = arith.constant 1 : i32
    "tpu.region"() ({
      %run_scoped3A_148 = tpu.sem_alloc : memref<!tpu.dma_semaphore, #tpu.memory_space<semaphore_mem>>
      %dma_start3A_149 = arith.constant 0 : i32
      %dma_start3A_150 = tpu.memref_slice %arg5[%run_scoped3A_19, %dma_start3A_149] : memref<5x128xi32, #tpu.memory_space<vmem>> -> memref<1x128xi32, #tpu.memory_space<vmem>>
      %dma_start3A_151 = tpu.memref_squeeze %dma_start3A_150 : memref<1x128xi32, #tpu.memory_space<vmem>> -> memref<128xi32, #tpu.memory_space<vmem>>
      %dma_start3A_152 = tpu.memref_slice %arg3[%add3A_18] : memref<20480xi32, #tpu.memory_space<hbm>> -> memref<128xi32, #tpu.memory_space<hbm>>
      %dma_start3A_153 = arith.constant 0 : i32
      %dma_start3A_154 = tpu.memref_slice %arg5[%run_scoped3A_19, %dma_start3A_153] : memref<5x128xi32, #tpu.memory_space<vmem>> -> memref<1x128xi32, #tpu.memory_space<vmem>>
      %dma_start3A_155 = tpu.memref_squeeze %dma_start3A_154 : memref<1x128xi32, #tpu.memory_space<vmem>> -> memref<128xi32, #tpu.memory_space<vmem>>
      %dma_start3A_156 = tpu.memref_slice %arg3[%add3A_18] : memref<20480xi32, #tpu.memory_space<hbm>> -> memref<128xi32, #tpu.memory_space<hbm>>
      tpu.enqueue_dma source(%dma_start3A_156 : memref<128xi32, #tpu.memory_space<hbm>>) target(%dma_start3A_155 : memref<128xi32, #tpu.memory_space<vmem>>) target_semaphore(%run_scoped3A_148 : memref<!tpu.dma_semaphore, #tpu.memory_space<semaphore_mem>>)
      %dma_wait3A_157 = arith.constant 0 : i32
      %dma_wait3A_158 = tpu.memref_slice %arg5[%run_scoped3A_19, %dma_wait3A_157] : memref<5x128xi32, #tpu.memory_space<vmem>> -> memref<1x128xi32, #tpu.memory_space<vmem>>
      %dma_wait3A_159 = tpu.memref_squeeze %dma_wait3A_158 : memref<1x128xi32, #tpu.memory_space<vmem>> -> memref<128xi32, #tpu.memory_space<vmem>>
      %dma_wait3A_160 = tpu.memref_slice %arg3[%add3A_18] : memref<20480xi32, #tpu.memory_space<hbm>> -> memref<128xi32, #tpu.memory_space<hbm>>
      %dma_wait3A_161 = arith.constant 0 : i32
      %dma_wait3A_162 = tpu.memref_slice %arg5[%run_scoped3A_19, %dma_wait3A_161] : memref<5x128xi32, #tpu.memory_space<vmem>> -> memref<1x128xi32, #tpu.memory_space<vmem>>
      %dma_wait3A_163 = tpu.memref_squeeze %dma_wait3A_162 : memref<1x128xi32, #tpu.memory_space<vmem>> -> memref<128xi32, #tpu.memory_space<vmem>>
      %dma_wait3A_164 = tpu.memref_slice %arg3[%add3A_18] : memref<20480xi32, #tpu.memory_space<hbm>> -> memref<128xi32, #tpu.memory_space<hbm>>
      tpu.wait_dma2 semaphore(%run_scoped3A_148 : memref<!tpu.dma_semaphore, #tpu.memory_space<semaphore_mem>>) src(%dma_wait3A_164 : memref<128xi32, #tpu.memory_space<hbm>>) dst(%dma_wait3A_163 : memref<128xi32, #tpu.memory_space<vmem>>)
      tpu.yield
    }) : () -> ()
    %mul3A_20 = arith.constant 640 : i32
    %mul3A_21 = arith.muli %add3A, %mul3A_20 : i32
    %add3A_22 = arith.constant 256 : i32
    %add3A_23 = arith.addi %mul3A_21, %add3A_22 : i32
    %run_scoped3A_24 = arith.constant 2 : i32
    "tpu.region"() ({
      %run_scoped3A_148 = tpu.sem_alloc : memref<!tpu.dma_semaphore, #tpu.memory_space<semaphore_mem>>
      %dma_start3A_149 = arith.constant 0 : i32
      %dma_start3A_150 = tpu.memref_slice %arg6[%run_scoped3A_24, %dma_start3A_149] : memref<5x128xf32, #tpu.memory_space<vmem>> -> memref<1x128xf32, #tpu.memory_space<vmem>>
      %dma_start3A_151 = tpu.memref_squeeze %dma_start3A_150 : memref<1x128xf32, #tpu.memory_space<vmem>> -> memref<128xf32, #tpu.memory_space<vmem>>
      %dma_start3A_152 = tpu.memref_slice %arg2[%add3A_23] : memref<20480xf32, #tpu.memory_space<hbm>> -> memref<128xf32, #tpu.memory_space<hbm>>
      %dma_start3A_153 = arith.constant 0 : i32
      %dma_start3A_154 = tpu.memref_slice %arg6[%run_scoped3A_24, %dma_start3A_153] : memref<5x128xf32, #tpu.memory_space<vmem>> -> memref<1x128xf32, #tpu.memory_space<vmem>>
      %dma_start3A_155 = tpu.memref_squeeze %dma_start3A_154 : memref<1x128xf32, #tpu.memory_space<vmem>> -> memref<128xf32, #tpu.memory_space<vmem>>
      %dma_start3A_156 = tpu.memref_slice %arg2[%add3A_23] : memref<20480xf32, #tpu.memory_space<hbm>> -> memref<128xf32, #tpu.memory_space<hbm>>
      tpu.enqueue_dma source(%dma_start3A_156 : memref<128xf32, #tpu.memory_space<hbm>>) target(%dma_start3A_155 : memref<128xf32, #tpu.memory_space<vmem>>) target_semaphore(%run_scoped3A_148 : memref<!tpu.dma_semaphore, #tpu.memory_space<semaphore_mem>>)
      %dma_wait3A_157 = arith.constant 0 : i32
      %dma_wait3A_158 = tpu.memref_slice %arg6[%run_scoped3A_24, %dma_wait3A_157] : memref<5x128xf32, #tpu.memory_space<vmem>> -> memref<1x128xf32, #tpu.memory_space<vmem>>
      %dma_wait3A_159 = tpu.memref_squeeze %dma_wait3A_158 : memref<1x128xf32, #tpu.memory_space<vmem>> -> memref<128xf32, #tpu.memory_space<vmem>>
      %dma_wait3A_160 = tpu.memref_slice %arg2[%add3A_23] : memref<20480xf32, #tpu.memory_space<hbm>> -> memref<128xf32, #tpu.memory_space<hbm>>
      %dma_wait3A_161 = arith.constant 0 : i32
      %dma_wait3A_162 = tpu.memref_slice %arg6[%run_scoped3A_24, %dma_wait3A_161] : memref<5x128xf32, #tpu.memory_space<vmem>> -> memref<1x128xf32, #tpu.memory_space<vmem>>
      %dma_wait3A_163 = tpu.memref_squeeze %dma_wait3A_162 : memref<1x128xf32, #tpu.memory_space<vmem>> -> memref<128xf32, #tpu.memory_space<vmem>>
      %dma_wait3A_164 = tpu.memref_slice %arg2[%add3A_23] : memref<20480xf32, #tpu.memory_space<hbm>> -> memref<128xf32, #tpu.memory_space<hbm>>
      tpu.wait_dma2 semaphore(%run_scoped3A_148 : memref<!tpu.dma_semaphore, #tpu.memory_space<semaphore_mem>>) src(%dma_wait3A_164 : memref<128xf32, #tpu.memory_space<hbm>>) dst(%dma_wait3A_163 : memref<128xf32, #tpu.memory_space<vmem>>)
      tpu.yield
    }) : () -> ()
    %mul3A_25 = arith.constant 640 : i32
    %mul3A_26 = arith.muli %add3A, %mul3A_25 : i32
    %add3A_27 = arith.constant 256 : i32
    %add3A_28 = arith.addi %mul3A_26, %add3A_27 : i32
    %run_scoped3A_29 = arith.constant 2 : i32
    "tpu.region"() ({
      %run_scoped3A_148 = tpu.sem_alloc : memref<!tpu.dma_semaphore, #tpu.memory_space<semaphore_mem>>
      %dma_start3A_149 = arith.constant 0 : i32
      %dma_start3A_150 = tpu.memref_slice %arg5[%run_scoped3A_29, %dma_start3A_149] : memref<5x128xi32, #tpu.memory_space<vmem>> -> memref<1x128xi32, #tpu.memory_space<vmem>>
      %dma_start3A_151 = tpu.memref_squeeze %dma_start3A_150 : memref<1x128xi32, #tpu.memory_space<vmem>> -> memref<128xi32, #tpu.memory_space<vmem>>
      %dma_start3A_152 = tpu.memref_slice %arg3[%add3A_28] : memref<20480xi32, #tpu.memory_space<hbm>> -> memref<128xi32, #tpu.memory_space<hbm>>
      %dma_start3A_153 = arith.constant 0 : i32
      %dma_start3A_154 = tpu.memref_slice %arg5[%run_scoped3A_29, %dma_start3A_153] : memref<5x128xi32, #tpu.memory_space<vmem>> -> memref<1x128xi32, #tpu.memory_space<vmem>>
      %dma_start3A_155 = tpu.memref_squeeze %dma_start3A_154 : memref<1x128xi32, #tpu.memory_space<vmem>> -> memref<128xi32, #tpu.memory_space<vmem>>
      %dma_start3A_156 = tpu.memref_slice %arg3[%add3A_28] : memref<20480xi32, #tpu.memory_space<hbm>> -> memref<128xi32, #tpu.memory_space<hbm>>
      tpu.enqueue_dma source(%dma_start3A_156 : memref<128xi32, #tpu.memory_space<hbm>>) target(%dma_start3A_155 : memref<128xi32, #tpu.memory_space<vmem>>) target_semaphore(%run_scoped3A_148 : memref<!tpu.dma_semaphore, #tpu.memory_space<semaphore_mem>>)
      %dma_wait3A_157 = arith.constant 0 : i32
      %dma_wait3A_158 = tpu.memref_slice %arg5[%run_scoped3A_29, %dma_wait3A_157] : memref<5x128xi32, #tpu.memory_space<vmem>> -> memref<1x128xi32, #tpu.memory_space<vmem>>
      %dma_wait3A_159 = tpu.memref_squeeze %dma_wait3A_158 : memref<1x128xi32, #tpu.memory_space<vmem>> -> memref<128xi32, #tpu.memory_space<vmem>>
      %dma_wait3A_160 = tpu.memref_slice %arg3[%add3A_28] : memref<20480xi32, #tpu.memory_space<hbm>> -> memref<128xi32, #tpu.memory_space<hbm>>
      %dma_wait3A_161 = arith.constant 0 : i32
      %dma_wait3A_162 = tpu.memref_slice %arg5[%run_scoped3A_29, %dma_wait3A_161] : memref<5x128xi32, #tpu.memory_space<vmem>> -> memref<1x128xi32, #tpu.memory_space<vmem>>
      %dma_wait3A_163 = tpu.memref_squeeze %dma_wait3A_162 : memref<1x128xi32, #tpu.memory_space<vmem>> -> memref<128xi32, #tpu.memory_space<vmem>>
      %dma_wait3A_164 = tpu.memref_slice %arg3[%add3A_28] : memref<20480xi32, #tpu.memory_space<hbm>> -> memref<128xi32, #tpu.memory_space<hbm>>
      tpu.wait_dma2 semaphore(%run_scoped3A_148 : memref<!tpu.dma_semaphore, #tpu.memory_space<semaphore_mem>>) src(%dma_wait3A_164 : memref<128xi32, #tpu.memory_space<hbm>>) dst(%dma_wait3A_163 : memref<128xi32, #tpu.memory_space<vmem>>)
      tpu.yield
    }) : () -> ()
    %mul3A_30 = arith.constant 640 : i32
    %mul3A_31 = arith.muli %add3A, %mul3A_30 : i32
    %add3A_32 = arith.constant 384 : i32
    %add3A_33 = arith.addi %mul3A_31, %add3A_32 : i32
    %run_scoped3A_34 = arith.constant 3 : i32
    "tpu.region"() ({
      %run_scoped3A_148 = tpu.sem_alloc : memref<!tpu.dma_semaphore, #tpu.memory_space<semaphore_mem>>
      %dma_start3A_149 = arith.constant 0 : i32
      %dma_start3A_150 = tpu.memref_slice %arg6[%run_scoped3A_34, %dma_start3A_149] : memref<5x128xf32, #tpu.memory_space<vmem>> -> memref<1x128xf32, #tpu.memory_space<vmem>>
      %dma_start3A_151 = tpu.memref_squeeze %dma_start3A_150 : memref<1x128xf32, #tpu.memory_space<vmem>> -> memref<128xf32, #tpu.memory_space<vmem>>
      %dma_start3A_152 = tpu.memref_slice %arg2[%add3A_33] : memref<20480xf32, #tpu.memory_space<hbm>> -> memref<128xf32, #tpu.memory_space<hbm>>
      %dma_start3A_153 = arith.constant 0 : i32
      %dma_start3A_154 = tpu.memref_slice %arg6[%run_scoped3A_34, %dma_start3A_153] : memref<5x128xf32, #tpu.memory_space<vmem>> -> memref<1x128xf32, #tpu.memory_space<vmem>>
      %dma_start3A_155 = tpu.memref_squeeze %dma_start3A_154 : memref<1x128xf32, #tpu.memory_space<vmem>> -> memref<128xf32, #tpu.memory_space<vmem>>
      %dma_start3A_156 = tpu.memref_slice %arg2[%add3A_33] : memref<20480xf32, #tpu.memory_space<hbm>> -> memref<128xf32, #tpu.memory_space<hbm>>
      tpu.enqueue_dma source(%dma_start3A_156 : memref<128xf32, #tpu.memory_space<hbm>>) target(%dma_start3A_155 : memref<128xf32, #tpu.memory_space<vmem>>) target_semaphore(%run_scoped3A_148 : memref<!tpu.dma_semaphore, #tpu.memory_space<semaphore_mem>>)
      %dma_wait3A_157 = arith.constant 0 : i32
      %dma_wait3A_158 = tpu.memref_slice %arg6[%run_scoped3A_34, %dma_wait3A_157] : memref<5x128xf32, #tpu.memory_space<vmem>> -> memref<1x128xf32, #tpu.memory_space<vmem>>
      %dma_wait3A_159 = tpu.memref_squeeze %dma_wait3A_158 : memref<1x128xf32, #tpu.memory_space<vmem>> -> memref<128xf32, #tpu.memory_space<vmem>>
      %dma_wait3A_160 = tpu.memref_slice %arg2[%add3A_33] : memref<20480xf32, #tpu.memory_space<hbm>> -> memref<128xf32, #tpu.memory_space<hbm>>
      %dma_wait3A_161 = arith.constant 0 : i32
      %dma_wait3A_162 = tpu.memref_slice %arg6[%run_scoped3A_34, %dma_wait3A_161] : memref<5x128xf32, #tpu.memory_space<vmem>> -> memref<1x128xf32, #tpu.memory_space<vmem>>
      %dma_wait3A_163 = tpu.memref_squeeze %dma_wait3A_162 : memref<1x128xf32, #tpu.memory_space<vmem>> -> memref<128xf32, #tpu.memory_space<vmem>>
      %dma_wait3A_164 = tpu.memref_slice %arg2[%add3A_33] : memref<20480xf32, #tpu.memory_space<hbm>> -> memref<128xf32, #tpu.memory_space<hbm>>
      tpu.wait_dma2 semaphore(%run_scoped3A_148 : memref<!tpu.dma_semaphore, #tpu.memory_space<semaphore_mem>>) src(%dma_wait3A_164 : memref<128xf32, #tpu.memory_space<hbm>>) dst(%dma_wait3A_163 : memref<128xf32, #tpu.memory_space<vmem>>)
      tpu.yield
    }) : () -> ()
    %mul3A_35 = arith.constant 640 : i32
    %mul3A_36 = arith.muli %add3A, %mul3A_35 : i32
    %add3A_37 = arith.constant 384 : i32
    %add3A_38 = arith.addi %mul3A_36, %add3A_37 : i32
    %run_scoped3A_39 = arith.constant 3 : i32
    "tpu.region"() ({
      %run_scoped3A_148 = tpu.sem_alloc : memref<!tpu.dma_semaphore, #tpu.memory_space<semaphore_mem>>
      %dma_start3A_149 = arith.constant 0 : i32
      %dma_start3A_150 = tpu.memref_slice %arg5[%run_scoped3A_39, %dma_start3A_149] : memref<5x128xi32, #tpu.memory_space<vmem>> -> memref<1x128xi32, #tpu.memory_space<vmem>>
      %dma_start3A_151 = tpu.memref_squeeze %dma_start3A_150 : memref<1x128xi32, #tpu.memory_space<vmem>> -> memref<128xi32, #tpu.memory_space<vmem>>
      %dma_start3A_152 = tpu.memref_slice %arg3[%add3A_38] : memref<20480xi32, #tpu.memory_space<hbm>> -> memref<128xi32, #tpu.memory_space<hbm>>
      %dma_start3A_153 = arith.constant 0 : i32
      %dma_start3A_154 = tpu.memref_slice %arg5[%run_scoped3A_39, %dma_start3A_153] : memref<5x128xi32, #tpu.memory_space<vmem>> -> memref<1x128xi32, #tpu.memory_space<vmem>>
      %dma_start3A_155 = tpu.memref_squeeze %dma_start3A_154 : memref<1x128xi32, #tpu.memory_space<vmem>> -> memref<128xi32, #tpu.memory_space<vmem>>
      %dma_start3A_156 = tpu.memref_slice %arg3[%add3A_38] : memref<20480xi32, #tpu.memory_space<hbm>> -> memref<128xi32, #tpu.memory_space<hbm>>
      tpu.enqueue_dma source(%dma_start3A_156 : memref<128xi32, #tpu.memory_space<hbm>>) target(%dma_start3A_155 : memref<128xi32, #tpu.memory_space<vmem>>) target_semaphore(%run_scoped3A_148 : memref<!tpu.dma_semaphore, #tpu.memory_space<semaphore_mem>>)
      %dma_wait3A_157 = arith.constant 0 : i32
      %dma_wait3A_158 = tpu.memref_slice %arg5[%run_scoped3A_39, %dma_wait3A_157] : memref<5x128xi32, #tpu.memory_space<vmem>> -> memref<1x128xi32, #tpu.memory_space<vmem>>
      %dma_wait3A_159 = tpu.memref_squeeze %dma_wait3A_158 : memref<1x128xi32, #tpu.memory_space<vmem>> -> memref<128xi32, #tpu.memory_space<vmem>>
      %dma_wait3A_160 = tpu.memref_slice %arg3[%add3A_38] : memref<20480xi32, #tpu.memory_space<hbm>> -> memref<128xi32, #tpu.memory_space<hbm>>
      %dma_wait3A_161 = arith.constant 0 : i32
      %dma_wait3A_162 = tpu.memref_slice %arg5[%run_scoped3A_39, %dma_wait3A_161] : memref<5x128xi32, #tpu.memory_space<vmem>> -> memref<1x128xi32, #tpu.memory_space<vmem>>
      %dma_wait3A_163 = tpu.memref_squeeze %dma_wait3A_162 : memref<1x128xi32, #tpu.memory_space<vmem>> -> memref<128xi32, #tpu.memory_space<vmem>>
      %dma_wait3A_164 = tpu.memref_slice %arg3[%add3A_38] : memref<20480xi32, #tpu.memory_space<hbm>> -> memref<128xi32, #tpu.memory_space<hbm>>
      tpu.wait_dma2 semaphore(%run_scoped3A_148 : memref<!tpu.dma_semaphore, #tpu.memory_space<semaphore_mem>>) src(%dma_wait3A_164 : memref<128xi32, #tpu.memory_space<hbm>>) dst(%dma_wait3A_163 : memref<128xi32, #tpu.memory_space<vmem>>)
      tpu.yield
    }) : () -> ()
    %mul3A_40 = arith.constant 640 : i32
    %mul3A_41 = arith.muli %add3A, %mul3A_40 : i32
    %add3A_42 = arith.constant 512 : i32
    %add3A_43 = arith.addi %mul3A_41, %add3A_42 : i32
    %run_scoped3A_44 = arith.constant 4 : i32
    "tpu.region"() ({
      %run_scoped3A_148 = tpu.sem_alloc : memref<!tpu.dma_semaphore, #tpu.memory_space<semaphore_mem>>
      %dma_start3A_149 = arith.constant 0 : i32
      %dma_start3A_150 = tpu.memref_slice %arg6[%run_scoped3A_44, %dma_start3A_149] : memref<5x128xf32, #tpu.memory_space<vmem>> -> memref<1x128xf32, #tpu.memory_space<vmem>>
      %dma_start3A_151 = tpu.memref_squeeze %dma_start3A_150 : memref<1x128xf32, #tpu.memory_space<vmem>> -> memref<128xf32, #tpu.memory_space<vmem>>
      %dma_start3A_152 = tpu.memref_slice %arg2[%add3A_43] : memref<20480xf32, #tpu.memory_space<hbm>> -> memref<128xf32, #tpu.memory_space<hbm>>
      %dma_start3A_153 = arith.constant 0 : i32
      %dma_start3A_154 = tpu.memref_slice %arg6[%run_scoped3A_44, %dma_start3A_153] : memref<5x128xf32, #tpu.memory_space<vmem>> -> memref<1x128xf32, #tpu.memory_space<vmem>>
      %dma_start3A_155 = tpu.memref_squeeze %dma_start3A_154 : memref<1x128xf32, #tpu.memory_space<vmem>> -> memref<128xf32, #tpu.memory_space<vmem>>
      %dma_start3A_156 = tpu.memref_slice %arg2[%add3A_43] : memref<20480xf32, #tpu.memory_space<hbm>> -> memref<128xf32, #tpu.memory_space<hbm>>
      tpu.enqueue_dma source(%dma_start3A_156 : memref<128xf32, #tpu.memory_space<hbm>>) target(%dma_start3A_155 : memref<128xf32, #tpu.memory_space<vmem>>) target_semaphore(%run_scoped3A_148 : memref<!tpu.dma_semaphore, #tpu.memory_space<semaphore_mem>>)
      %dma_wait3A_157 = arith.constant 0 : i32
      %dma_wait3A_158 = tpu.memref_slice %arg6[%run_scoped3A_44, %dma_wait3A_157] : memref<5x128xf32, #tpu.memory_space<vmem>> -> memref<1x128xf32, #tpu.memory_space<vmem>>
      %dma_wait3A_159 = tpu.memref_squeeze %dma_wait3A_158 : memref<1x128xf32, #tpu.memory_space<vmem>> -> memref<128xf32, #tpu.memory_space<vmem>>
      %dma_wait3A_160 = tpu.memref_slice %arg2[%add3A_43] : memref<20480xf32, #tpu.memory_space<hbm>> -> memref<128xf32, #tpu.memory_space<hbm>>
      %dma_wait3A_161 = arith.constant 0 : i32
      %dma_wait3A_162 = tpu.memref_slice %arg6[%run_scoped3A_44, %dma_wait3A_161] : memref<5x128xf32, #tpu.memory_space<vmem>> -> memref<1x128xf32, #tpu.memory_space<vmem>>
      %dma_wait3A_163 = tpu.memref_squeeze %dma_wait3A_162 : memref<1x128xf32, #tpu.memory_space<vmem>> -> memref<128xf32, #tpu.memory_space<vmem>>
      %dma_wait3A_164 = tpu.memref_slice %arg2[%add3A_43] : memref<20480xf32, #tpu.memory_space<hbm>> -> memref<128xf32, #tpu.memory_space<hbm>>
      tpu.wait_dma2 semaphore(%run_scoped3A_148 : memref<!tpu.dma_semaphore, #tpu.memory_space<semaphore_mem>>) src(%dma_wait3A_164 : memref<128xf32, #tpu.memory_space<hbm>>) dst(%dma_wait3A_163 : memref<128xf32, #tpu.memory_space<vmem>>)
      tpu.yield
    }) : () -> ()
    %mul3A_45 = arith.constant 640 : i32
    %mul3A_46 = arith.muli %add3A, %mul3A_45 : i32
    %add3A_47 = arith.constant 512 : i32
    %add3A_48 = arith.addi %mul3A_46, %add3A_47 : i32
    %run_scoped3A_49 = arith.constant 4 : i32
    "tpu.region"() ({
      %run_scoped3A_148 = tpu.sem_alloc : memref<!tpu.dma_semaphore, #tpu.memory_space<semaphore_mem>>
      %dma_start3A_149 = arith.constant 0 : i32
      %dma_start3A_150 = tpu.memref_slice %arg5[%run_scoped3A_49, %dma_start3A_149] : memref<5x128xi32, #tpu.memory_space<vmem>> -> memref<1x128xi32, #tpu.memory_space<vmem>>
      %dma_start3A_151 = tpu.memref_squeeze %dma_start3A_150 : memref<1x128xi32, #tpu.memory_space<vmem>> -> memref<128xi32, #tpu.memory_space<vmem>>
      %dma_start3A_152 = tpu.memref_slice %arg3[%add3A_48] : memref<20480xi32, #tpu.memory_space<hbm>> -> memref<128xi32, #tpu.memory_space<hbm>>
      %dma_start3A_153 = arith.constant 0 : i32
      %dma_start3A_154 = tpu.memref_slice %arg5[%run_scoped3A_49, %dma_start3A_153] : memref<5x128xi32, #tpu.memory_space<vmem>> -> memref<1x128xi32, #tpu.memory_space<vmem>>
      %dma_start3A_155 = tpu.memref_squeeze %dma_start3A_154 : memref<1x128xi32, #tpu.memory_space<vmem>> -> memref<128xi32, #tpu.memory_space<vmem>>
      %dma_start3A_156 = tpu.memref_slice %arg3[%add3A_48] : memref<20480xi32, #tpu.memory_space<hbm>> -> memref<128xi32, #tpu.memory_space<hbm>>
      tpu.enqueue_dma source(%dma_start3A_156 : memref<128xi32, #tpu.memory_space<hbm>>) target(%dma_start3A_155 : memref<128xi32, #tpu.memory_space<vmem>>) target_semaphore(%run_scoped3A_148 : memref<!tpu.dma_semaphore, #tpu.memory_space<semaphore_mem>>)
      %dma_wait3A_157 = arith.constant 0 : i32
      %dma_wait3A_158 = tpu.memref_slice %arg5[%run_scoped3A_49, %dma_wait3A_157] : memref<5x128xi32, #tpu.memory_space<vmem>> -> memref<1x128xi32, #tpu.memory_space<vmem>>
      %dma_wait3A_159 = tpu.memref_squeeze %dma_wait3A_158 : memref<1x128xi32, #tpu.memory_space<vmem>> -> memref<128xi32, #tpu.memory_space<vmem>>
      %dma_wait3A_160 = tpu.memref_slice %arg3[%add3A_48] : memref<20480xi32, #tpu.memory_space<hbm>> -> memref<128xi32, #tpu.memory_space<hbm>>
      %dma_wait3A_161 = arith.constant 0 : i32
      %dma_wait3A_162 = tpu.memref_slice %arg5[%run_scoped3A_49, %dma_wait3A_161] : memref<5x128xi32, #tpu.memory_space<vmem>> -> memref<1x128xi32, #tpu.memory_space<vmem>>
      %dma_wait3A_163 = tpu.memref_squeeze %dma_wait3A_162 : memref<1x128xi32, #tpu.memory_space<vmem>> -> memref<128xi32, #tpu.memory_space<vmem>>
      %dma_wait3A_164 = tpu.memref_slice %arg3[%add3A_48] : memref<20480xi32, #tpu.memory_space<hbm>> -> memref<128xi32, #tpu.memory_space<hbm>>
      tpu.wait_dma2 semaphore(%run_scoped3A_148 : memref<!tpu.dma_semaphore, #tpu.memory_space<semaphore_mem>>) src(%dma_wait3A_164 : memref<128xi32, #tpu.memory_space<hbm>>) dst(%dma_wait3A_163 : memref<128xi32, #tpu.memory_space<vmem>>)
      tpu.yield
    }) : () -> ()
    %dma_start3A = arith.constant 0 : i32
    %dma_start3A_50 = arith.constant 0 : i32
    %dma_start3A_51 = arith.constant 0 : i32
    %dma_start3A_52 = tpu.memref_slice %arg6[%dma_start3A, %dma_start3A_51] : memref<5x128xf32, #tpu.memory_space<vmem>> -> memref<1x128xf32, #tpu.memory_space<vmem>>
    %dma_start3A_53 = tpu.memref_squeeze %dma_start3A_52 : memref<1x128xf32, #tpu.memory_space<vmem>> -> memref<128xf32, #tpu.memory_space<vmem>>
    %dma_start3A_54 = arith.constant 0 : i32
    %dma_start3A_55 = tpu.memref_slice %arg5[%dma_start3A_50, %dma_start3A_54] : memref<5x128xi32, #tpu.memory_space<vmem>> -> memref<1x128xi32, #tpu.memory_space<vmem>>
    %dma_start3A_56 = tpu.memref_squeeze %dma_start3A_55 : memref<1x128xi32, #tpu.memory_space<vmem>> -> memref<128xi32, #tpu.memory_space<vmem>>
    %dma_start3A_57 = arith.constant 0 : i32
    %dma_start3A_58 = tpu.memref_slice %arg4[%dma_start3A_57] : memref<20480xf32, #tpu.memory_space<hbm>> -> memref<20480xf32, #tpu.memory_space<hbm>>
    tpu.enqueue_indirect_dma source(%dma_start3A_53 : memref<128xf32, #tpu.memory_space<vmem>>) target(%dma_start3A_58 : memref<20480xf32, #tpu.memory_space<hbm>>) offsets(%dma_start3A_56 : memref<128xi32, #tpu.memory_space<vmem>>) semaphore(%arg7 : memref<!tpu.dma_semaphore, #tpu.memory_space<semaphore_mem>>)
    %dma_start3A_59 = arith.constant 1 : i32
    %dma_start3A_60 = arith.constant 1 : i32
    %dma_start3A_61 = arith.constant 0 : i32
    %dma_start3A_62 = tpu.memref_slice %arg6[%dma_start3A_59, %dma_start3A_61] : memref<5x128xf32, #tpu.memory_space<vmem>> -> memref<1x128xf32, #tpu.memory_space<vmem>>
    %dma_start3A_63 = tpu.memref_squeeze %dma_start3A_62 : memref<1x128xf32, #tpu.memory_space<vmem>> -> memref<128xf32, #tpu.memory_space<vmem>>
    %dma_start3A_64 = arith.constant 0 : i32
    %dma_start3A_65 = tpu.memref_slice %arg5[%dma_start3A_60, %dma_start3A_64] : memref<5x128xi32, #tpu.memory_space<vmem>> -> memref<1x128xi32, #tpu.memory_space<vmem>>
    %dma_start3A_66 = tpu.memref_squeeze %dma_start3A_65 : memref<1x128xi32, #tpu.memory_space<vmem>> -> memref<128xi32, #tpu.memory_space<vmem>>
    %dma_start3A_67 = arith.constant 0 : i32
    %dma_start3A_68 = tpu.memref_slice %arg4[%dma_start3A_67] : memref<20480xf32, #tpu.memory_space<hbm>> -> memref<20480xf32, #tpu.memory_space<hbm>>
    tpu.enqueue_indirect_dma source(%dma_start3A_63 : memref<128xf32, #tpu.memory_space<vmem>>) target(%dma_start3A_68 : memref<20480xf32, #tpu.memory_space<hbm>>) offsets(%dma_start3A_66 : memref<128xi32, #tpu.memory_space<vmem>>) semaphore(%arg7 : memref<!tpu.dma_semaphore, #tpu.memory_space<semaphore_mem>>)
    %dma_start3A_69 = arith.constant 2 : i32
    %dma_start3A_70 = arith.constant 2 : i32
    %dma_start3A_71 = arith.constant 0 : i32
    %dma_start3A_72 = tpu.memref_slice %arg6[%dma_start3A_69, %dma_start3A_71] : memref<5x128xf32, #tpu.memory_space<vmem>> -> memref<1x128xf32, #tpu.memory_space<vmem>>
    %dma_start3A_73 = tpu.memref_squeeze %dma_start3A_72 : memref<1x128xf32, #tpu.memory_space<vmem>> -> memref<128xf32, #tpu.memory_space<vmem>>
    %dma_start3A_74 = arith.constant 0 : i32
    %dma_start3A_75 = tpu.memref_slice %arg5[%dma_start3A_70, %dma_start3A_74] : memref<5x128xi32, #tpu.memory_space<vmem>> -> memref<1x128xi32, #tpu.memory_space<vmem>>
    %dma_start3A_76 = tpu.memref_squeeze %dma_start3A_75 : memref<1x128xi32, #tpu.memory_space<vmem>> -> memref<128xi32, #tpu.memory_space<vmem>>
    %dma_start3A_77 = arith.constant 0 : i32
    %dma_start3A_78 = tpu.memref_slice %arg4[%dma_start3A_77] : memref<20480xf32, #tpu.memory_space<hbm>> -> memref<20480xf32, #tpu.memory_space<hbm>>
    tpu.enqueue_indirect_dma source(%dma_start3A_73 : memref<128xf32, #tpu.memory_space<vmem>>) target(%dma_start3A_78 : memref<20480xf32, #tpu.memory_space<hbm>>) offsets(%dma_start3A_76 : memref<128xi32, #tpu.memory_space<vmem>>) semaphore(%arg7 : memref<!tpu.dma_semaphore, #tpu.memory_space<semaphore_mem>>)
    %dma_start3A_79 = arith.constant 3 : i32
    %dma_start3A_80 = arith.constant 3 : i32
    %dma_start3A_81 = arith.constant 0 : i32
    %dma_start3A_82 = tpu.memref_slice %arg6[%dma_start3A_79, %dma_start3A_81] : memref<5x128xf32, #tpu.memory_space<vmem>> -> memref<1x128xf32, #tpu.memory_space<vmem>>
    %dma_start3A_83 = tpu.memref_squeeze %dma_start3A_82 : memref<1x128xf32, #tpu.memory_space<vmem>> -> memref<128xf32, #tpu.memory_space<vmem>>
    %dma_start3A_84 = arith.constant 0 : i32
    %dma_start3A_85 = tpu.memref_slice %arg5[%dma_start3A_80, %dma_start3A_84] : memref<5x128xi32, #tpu.memory_space<vmem>> -> memref<1x128xi32, #tpu.memory_space<vmem>>
    %dma_start3A_86 = tpu.memref_squeeze %dma_start3A_85 : memref<1x128xi32, #tpu.memory_space<vmem>> -> memref<128xi32, #tpu.memory_space<vmem>>
    %dma_start3A_87 = arith.constant 0 : i32
    %dma_start3A_88 = tpu.memref_slice %arg4[%dma_start3A_87] : memref<20480xf32, #tpu.memory_space<hbm>> -> memref<20480xf32, #tpu.memory_space<hbm>>
    tpu.enqueue_indirect_dma source(%dma_start3A_83 : memref<128xf32, #tpu.memory_space<vmem>>) target(%dma_start3A_88 : memref<20480xf32, #tpu.memory_space<hbm>>) offsets(%dma_start3A_86 : memref<128xi32, #tpu.memory_space<vmem>>) semaphore(%arg7 : memref<!tpu.dma_semaphore, #tpu.memory_space<semaphore_mem>>)
    %dma_start3A_89 = arith.constant 4 : i32
    %dma_start3A_90 = arith.constant 4 : i32
    %dma_start3A_91 = arith.constant 0 : i32
    %dma_start3A_92 = tpu.memref_slice %arg6[%dma_start3A_89, %dma_start3A_91] : memref<5x128xf32, #tpu.memory_space<vmem>> -> memref<1x128xf32, #tpu.memory_space<vmem>>
    %dma_start3A_93 = tpu.memref_squeeze %dma_start3A_92 : memref<1x128xf32, #tpu.memory_space<vmem>> -> memref<128xf32, #tpu.memory_space<vmem>>
    %dma_start3A_94 = arith.constant 0 : i32
    %dma_start3A_95 = tpu.memref_slice %arg5[%dma_start3A_90, %dma_start3A_94] : memref<5x128xi32, #tpu.memory_space<vmem>> -> memref<1x128xi32, #tpu.memory_space<vmem>>
    %dma_start3A_96 = tpu.memref_squeeze %dma_start3A_95 : memref<1x128xi32, #tpu.memory_space<vmem>> -> memref<128xi32, #tpu.memory_space<vmem>>
    %dma_start3A_97 = arith.constant 0 : i32
    %dma_start3A_98 = tpu.memref_slice %arg4[%dma_start3A_97] : memref<20480xf32, #tpu.memory_space<hbm>> -> memref<20480xf32, #tpu.memory_space<hbm>>
    tpu.enqueue_indirect_dma source(%dma_start3A_93 : memref<128xf32, #tpu.memory_space<vmem>>) target(%dma_start3A_98 : memref<20480xf32, #tpu.memory_space<hbm>>) offsets(%dma_start3A_96 : memref<128xi32, #tpu.memory_space<vmem>>) semaphore(%arg7 : memref<!tpu.dma_semaphore, #tpu.memory_space<semaphore_mem>>)
    %dma_wait3A = arith.constant 0 : i32
    %dma_wait3A_99 = arith.constant 0 : i32
    %dma_wait3A_100 = arith.constant 0 : i32
    %dma_wait3A_101 = tpu.memref_slice %arg6[%dma_wait3A, %dma_wait3A_100] : memref<5x128xf32, #tpu.memory_space<vmem>> -> memref<1x128xf32, #tpu.memory_space<vmem>>
    %dma_wait3A_102 = tpu.memref_squeeze %dma_wait3A_101 : memref<1x128xf32, #tpu.memory_space<vmem>> -> memref<128xf32, #tpu.memory_space<vmem>>
    %dma_wait3A_103 = arith.constant 0 : i32
    %dma_wait3A_104 = tpu.memref_slice %arg5[%dma_wait3A_99, %dma_wait3A_103] : memref<5x128xi32, #tpu.memory_space<vmem>> -> memref<1x128xi32, #tpu.memory_space<vmem>>
    %dma_wait3A_105 = tpu.memref_squeeze %dma_wait3A_104 : memref<1x128xi32, #tpu.memory_space<vmem>> -> memref<128xi32, #tpu.memory_space<vmem>>
    %dma_wait3A_106 = arith.constant 0 : i32
    %dma_wait3A_107 = tpu.memref_slice %arg4[%dma_wait3A_106] : memref<20480xf32, #tpu.memory_space<hbm>> -> memref<20480xf32, #tpu.memory_space<hbm>>
    tpu.wait_indirect_dma semaphore(%arg7 : memref<!tpu.dma_semaphore, #tpu.memory_space<semaphore_mem>>) src(%dma_wait3A_102 : memref<128xf32, #tpu.memory_space<vmem>>) dst(%dma_wait3A_107 : memref<20480xf32, #tpu.memory_space<hbm>>)
    %dma_wait3A_108 = arith.constant 1 : i32
    %dma_wait3A_109 = arith.constant 1 : i32
    %dma_wait3A_110 = arith.constant 0 : i32
    %dma_wait3A_111 = tpu.memref_slice %arg6[%dma_wait3A_108, %dma_wait3A_110] : memref<5x128xf32, #tpu.memory_space<vmem>> -> memref<1x128xf32, #tpu.memory_space<vmem>>
    %dma_wait3A_112 = tpu.memref_squeeze %dma_wait3A_111 : memref<1x128xf32, #tpu.memory_space<vmem>> -> memref<128xf32, #tpu.memory_space<vmem>>
    %dma_wait3A_113 = arith.constant 0 : i32
    %dma_wait3A_114 = tpu.memref_slice %arg5[%dma_wait3A_109, %dma_wait3A_113] : memref<5x128xi32, #tpu.memory_space<vmem>> -> memref<1x128xi32, #tpu.memory_space<vmem>>
    %dma_wait3A_115 = tpu.memref_squeeze %dma_wait3A_114 : memref<1x128xi32, #tpu.memory_space<vmem>> -> memref<128xi32, #tpu.memory_space<vmem>>
    %dma_wait3A_116 = arith.constant 0 : i32
    %dma_wait3A_117 = tpu.memref_slice %arg4[%dma_wait3A_116] : memref<20480xf32, #tpu.memory_space<hbm>> -> memref<20480xf32, #tpu.memory_space<hbm>>
    tpu.wait_indirect_dma semaphore(%arg7 : memref<!tpu.dma_semaphore, #tpu.memory_space<semaphore_mem>>) src(%dma_wait3A_112 : memref<128xf32, #tpu.memory_space<vmem>>) dst(%dma_wait3A_117 : memref<20480xf32, #tpu.memory_space<hbm>>)
    %dma_wait3A_118 = arith.constant 2 : i32
    %dma_wait3A_119 = arith.constant 2 : i32
    %dma_wait3A_120 = arith.constant 0 : i32
    %dma_wait3A_121 = tpu.memref_slice %arg6[%dma_wait3A_118, %dma_wait3A_120] : memref<5x128xf32, #tpu.memory_space<vmem>> -> memref<1x128xf32, #tpu.memory_space<vmem>>
    %dma_wait3A_122 = tpu.memref_squeeze %dma_wait3A_121 : memref<1x128xf32, #tpu.memory_space<vmem>> -> memref<128xf32, #tpu.memory_space<vmem>>
    %dma_wait3A_123 = arith.constant 0 : i32
    %dma_wait3A_124 = tpu.memref_slice %arg5[%dma_wait3A_119, %dma_wait3A_123] : memref<5x128xi32, #tpu.memory_space<vmem>> -> memref<1x128xi32, #tpu.memory_space<vmem>>
    %dma_wait3A_125 = tpu.memref_squeeze %dma_wait3A_124 : memref<1x128xi32, #tpu.memory_space<vmem>> -> memref<128xi32, #tpu.memory_space<vmem>>
    %dma_wait3A_126 = arith.constant 0 : i32
    %dma_wait3A_127 = tpu.memref_slice %arg4[%dma_wait3A_126] : memref<20480xf32, #tpu.memory_space<hbm>> -> memref<20480xf32, #tpu.memory_space<hbm>>
    tpu.wait_indirect_dma semaphore(%arg7 : memref<!tpu.dma_semaphore, #tpu.memory_space<semaphore_mem>>) src(%dma_wait3A_122 : memref<128xf32, #tpu.memory_space<vmem>>) dst(%dma_wait3A_127 : memref<20480xf32, #tpu.memory_space<hbm>>)
    %dma_wait3A_128 = arith.constant 3 : i32
    %dma_wait3A_129 = arith.constant 3 : i32
    %dma_wait3A_130 = arith.constant 0 : i32
    %dma_wait3A_131 = tpu.memref_slice %arg6[%dma_wait3A_128, %dma_wait3A_130] : memref<5x128xf32, #tpu.memory_space<vmem>> -> memref<1x128xf32, #tpu.memory_space<vmem>>
    %dma_wait3A_132 = tpu.memref_squeeze %dma_wait3A_131 : memref<1x128xf32, #tpu.memory_space<vmem>> -> memref<128xf32, #tpu.memory_space<vmem>>
    %dma_wait3A_133 = arith.constant 0 : i32
    %dma_wait3A_134 = tpu.memref_slice %arg5[%dma_wait3A_129, %dma_wait3A_133] : memref<5x128xi32, #tpu.memory_space<vmem>> -> memref<1x128xi32, #tpu.memory_space<vmem>>
    %dma_wait3A_135 = tpu.memref_squeeze %dma_wait3A_134 : memref<1x128xi32, #tpu.memory_space<vmem>> -> memref<128xi32, #tpu.memory_space<vmem>>
    %dma_wait3A_136 = arith.constant 0 : i32
    %dma_wait3A_137 = tpu.memref_slice %arg4[%dma_wait3A_136] : memref<20480xf32, #tpu.memory_space<hbm>> -> memref<20480xf32, #tpu.memory_space<hbm>>
    tpu.wait_indirect_dma semaphore(%arg7 : memref<!tpu.dma_semaphore, #tpu.memory_space<semaphore_mem>>) src(%dma_wait3A_132 : memref<128xf32, #tpu.memory_space<vmem>>) dst(%dma_wait3A_137 : memref<20480xf32, #tpu.memory_space<hbm>>)
    %dma_wait3A_138 = arith.constant 4 : i32
    %dma_wait3A_139 = arith.constant 4 : i32
    %dma_wait3A_140 = arith.constant 0 : i32
    %dma_wait3A_141 = tpu.memref_slice %arg6[%dma_wait3A_138, %dma_wait3A_140] : memref<5x128xf32, #tpu.memory_space<vmem>> -> memref<1x128xf32, #tpu.memory_space<vmem>>
    %dma_wait3A_142 = tpu.memref_squeeze %dma_wait3A_141 : memref<1x128xf32, #tpu.memory_space<vmem>> -> memref<128xf32, #tpu.memory_space<vmem>>
    %dma_wait3A_143 = arith.constant 0 : i32
    %dma_wait3A_144 = tpu.memref_slice %arg5[%dma_wait3A_139, %dma_wait3A_143] : memref<5x128xi32, #tpu.memory_space<vmem>> -> memref<1x128xi32, #tpu.memory_space<vmem>>
    %dma_wait3A_145 = tpu.memref_squeeze %dma_wait3A_144 : memref<1x128xi32, #tpu.memory_space<vmem>> -> memref<128xi32, #tpu.memory_space<vmem>>
    %dma_wait3A_146 = arith.constant 0 : i32
    %dma_wait3A_147 = tpu.memref_slice %arg4[%dma_wait3A_146] : memref<20480xf32, #tpu.memory_space<hbm>> -> memref<20480xf32, #tpu.memory_space<hbm>>
    tpu.wait_indirect_dma semaphore(%arg7 : memref<!tpu.dma_semaphore, #tpu.memory_space<semaphore_mem>>) src(%dma_wait3A_142 : memref<128xf32, #tpu.memory_space<vmem>>) dst(%dma_wait3A_147 : memref<20480xf32, #tpu.memory_space<hbm>>)
    return
  }
}

#map = affine_map<(d0, d1) -> (0)>
module attributes {stable_mosaic.version = 14 : i64} {
  func.func @_sc_gather_body(%arg0: i32, %arg1: i32, %arg2: memref<100000xf32, #tpu.memory_space<hbm>>, %arg3: memref<20480xi32, #tpu.memory_space<hbm>>, %arg4: memref<102400xf32, #tpu.memory_space<hbm>>, %arg5: memref<100000xf32, #tpu.memory_space<vmem_shared>>, %arg6: memref<100000xf32, #tpu.memory_space<vmem>>, %arg7: memref<640xi32, #tpu.memory_space<vmem>>, %arg8: memref<3200xf32, #tpu.memory_space<vmem>>) attributes {dimension_semantics = [#tpu.dimension_semantics<core_parallel>, #tpu.dimension_semantics<subcore_parallel>], iteration_bounds = array<i64: 2, 16>, scalar_prefetch = 0 : i64, scratch_operands = 4 : i64, tpu.core_type = #tpu.core_type<sc_vector_subcore>, window_params = [{transform_indices = #map}, {transform_indices = #map}, {transform_indices = #map}]} {
    %mul3A = arith.constant 2 : i32
    %mul3A_0 = arith.muli %arg1, %mul3A : i32
    %add3A = arith.addi %mul3A_0, %arg0 : i32
    %eq3A = arith.constant 0 : i32
    %eq3A_1 = arith.cmpi eq, %arg1, %eq3A : i32
    %convert_element_type3A = arith.extui %eq3A_1 : i1 to i32
    %cond3A = arith.constant 0 : i32
    %cond3A_2 = arith.cmpi ne, %convert_element_type3A, %cond3A : i32
    scf.if %cond3A_2 {
      "tpu.region"() ({
        %run_scoped3A = tpu.sem_alloc : memref<!tpu.dma_semaphore, #tpu.memory_space<semaphore_mem>>
        tpu.enqueue_dma source(%arg2 : memref<100000xf32, #tpu.memory_space<hbm>>) target(%arg5 : memref<100000xf32, #tpu.memory_space<vmem_shared>>) target_semaphore(%run_scoped3A : memref<!tpu.dma_semaphore, #tpu.memory_space<semaphore_mem>>)
        tpu.wait_dma2 semaphore(%run_scoped3A : memref<!tpu.dma_semaphore, #tpu.memory_space<semaphore_mem>>) src(%arg2 : memref<100000xf32, #tpu.memory_space<hbm>>) dst(%arg5 : memref<100000xf32, #tpu.memory_space<vmem_shared>>)
        tpu.yield
      }) : () -> ()
    } else {
    }
    %barrier3A = arith.constant 0 : index
    tpu.barrier barrier_id(%barrier3A)
    "tpu.region"() ({
      %run_scoped3A = tpu.sem_alloc : memref<!tpu.dma_semaphore, #tpu.memory_space<semaphore_mem>>
      tpu.enqueue_dma source(%arg5 : memref<100000xf32, #tpu.memory_space<vmem_shared>>) target(%arg6 : memref<100000xf32, #tpu.memory_space<vmem>>) target_semaphore(%run_scoped3A : memref<!tpu.dma_semaphore, #tpu.memory_space<semaphore_mem>>)
      tpu.wait_dma2 semaphore(%run_scoped3A : memref<!tpu.dma_semaphore, #tpu.memory_space<semaphore_mem>>) src(%arg5 : memref<100000xf32, #tpu.memory_space<vmem_shared>>) dst(%arg6 : memref<100000xf32, #tpu.memory_space<vmem>>)
      tpu.yield
    }) : () -> ()
    %mul3A_3 = arith.constant 640 : i32
    %mul3A_4 = arith.muli %add3A, %mul3A_3 : i32
    "tpu.region"() ({
      %run_scoped3A = tpu.sem_alloc : memref<!tpu.dma_semaphore, #tpu.memory_space<semaphore_mem>>
      %dma_start3A = tpu.memref_slice %arg3[%mul3A_4] : memref<20480xi32, #tpu.memory_space<hbm>> -> memref<640xi32, #tpu.memory_space<hbm>>
      %dma_start3A_14 = tpu.memref_slice %arg3[%mul3A_4] : memref<20480xi32, #tpu.memory_space<hbm>> -> memref<640xi32, #tpu.memory_space<hbm>>
      tpu.enqueue_dma source(%dma_start3A_14 : memref<640xi32, #tpu.memory_space<hbm>>) target(%arg7 : memref<640xi32, #tpu.memory_space<vmem>>) target_semaphore(%run_scoped3A : memref<!tpu.dma_semaphore, #tpu.memory_space<semaphore_mem>>)
      %dma_wait3A = tpu.memref_slice %arg3[%mul3A_4] : memref<20480xi32, #tpu.memory_space<hbm>> -> memref<640xi32, #tpu.memory_space<hbm>>
      %dma_wait3A_15 = tpu.memref_slice %arg3[%mul3A_4] : memref<20480xi32, #tpu.memory_space<hbm>> -> memref<640xi32, #tpu.memory_space<hbm>>
      tpu.wait_dma2 semaphore(%run_scoped3A : memref<!tpu.dma_semaphore, #tpu.memory_space<semaphore_mem>>) src(%dma_wait3A_15 : memref<640xi32, #tpu.memory_space<hbm>>) dst(%arg7 : memref<640xi32, #tpu.memory_space<vmem>>)
      tpu.yield
    }) : () -> ()
    %scan3A = arith.constant 0 : i32
    %scan3A_5 = arith.constant 0 : i32
    %scan3A_6 = arith.constant 40 : i32
    %scan3A_7 = arith.addi %scan3A_5, %scan3A_6 : i32
    %scan3A_8 = arith.constant 1 : i32
    scf.for %scan3A_14 = %scan3A_5 to %scan3A_7 step %scan3A_8  : i32 {
      %mul3A_15 = arith.constant 16 : i32
      %mul3A_16 = arith.muli %scan3A_14, %mul3A_15 : i32
      %get3A = arith.index_cast %mul3A_16 : i32 to index
      %get3A_17 = tpu.vector_load %arg7[%get3A] {strides = array<i32>} : memref<640xi32, #tpu.memory_space<vmem>>, vector<16xi32>,
      %min3A = arith.constant 19999 : i32
      %min3A_18 = vector.broadcast %min3A : i32 to vector<16xi32>
      %min3A_19 = arith.minsi %get3A_17, %min3A_18 : vector<16xi32>
      %add3A_20 = arith.constant 0 : i32
      %add3A_21 = vector.broadcast %add3A_20 : i32 to vector<16xi32>
      %add3A_22 = arith.addi %min3A_19, %add3A_21 : vector<16xi32>
      %gather3A = tpu.vector_load_idx %arg6[%add3A_22] : memref<100000xf32, #tpu.memory_space<vmem>>[vector<16xi32>], vector<16xf32>,
      %mul3A_23 = arith.constant 16 : i32
      %mul3A_24 = arith.muli %scan3A_14, %mul3A_23 : i32
      %add3A_25 = arith.constant 0 : i32
      %add3A_26 = arith.addi %add3A_25, %mul3A_24 : i32
      %swap3A = arith.index_cast %add3A_26 : i32 to index
      %swap3A_27 = tpu.vector_load %arg8[%swap3A] {strides = array<i32>} : memref<3200xf32, #tpu.memory_space<vmem>>, vector<16xf32>,
      tpu.vector_store %arg8[%swap3A], %gather3A {strides = array<i32>} : memref<3200xf32, #tpu.memory_space<vmem>>, vector<16xf32>,
      %add3A_28 = arith.constant 20000 : i32
      %add3A_29 = vector.broadcast %add3A_28 : i32 to vector<16xi32>
      %add3A_30 = arith.addi %min3A_19, %add3A_29 : vector<16xi32>
      %gather3A_31 = tpu.vector_load_idx %arg6[%add3A_30] : memref<100000xf32, #tpu.memory_space<vmem>>[vector<16xi32>], vector<16xf32>,
      %mul3A_32 = arith.constant 16 : i32
      %mul3A_33 = arith.muli %scan3A_14, %mul3A_32 : i32
      %add3A_34 = arith.constant 640 : i32
      %add3A_35 = arith.addi %add3A_34, %mul3A_33 : i32
      %swap3A_36 = arith.index_cast %add3A_35 : i32 to index
      %swap3A_37 = tpu.vector_load %arg8[%swap3A_36] {strides = array<i32>} : memref<3200xf32, #tpu.memory_space<vmem>>, vector<16xf32>,
      tpu.vector_store %arg8[%swap3A_36], %gather3A_31 {strides = array<i32>} : memref<3200xf32, #tpu.memory_space<vmem>>, vector<16xf32>,
      %add3A_38 = arith.constant 40000 : i32
      %add3A_39 = vector.broadcast %add3A_38 : i32 to vector<16xi32>
      %add3A_40 = arith.addi %min3A_19, %add3A_39 : vector<16xi32>
      %gather3A_41 = tpu.vector_load_idx %arg6[%add3A_40] : memref<100000xf32, #tpu.memory_space<vmem>>[vector<16xi32>], vector<16xf32>,
      %mul3A_42 = arith.constant 16 : i32
      %mul3A_43 = arith.muli %scan3A_14, %mul3A_42 : i32
      %add3A_44 = arith.constant 1280 : i32
      %add3A_45 = arith.addi %add3A_44, %mul3A_43 : i32
      %swap3A_46 = arith.index_cast %add3A_45 : i32 to index
      %swap3A_47 = tpu.vector_load %arg8[%swap3A_46] {strides = array<i32>} : memref<3200xf32, #tpu.memory_space<vmem>>, vector<16xf32>,
      tpu.vector_store %arg8[%swap3A_46], %gather3A_41 {strides = array<i32>} : memref<3200xf32, #tpu.memory_space<vmem>>, vector<16xf32>,
      %add3A_48 = arith.constant 60000 : i32
      %add3A_49 = vector.broadcast %add3A_48 : i32 to vector<16xi32>
      %add3A_50 = arith.addi %min3A_19, %add3A_49 : vector<16xi32>
      %gather3A_51 = tpu.vector_load_idx %arg6[%add3A_50] : memref<100000xf32, #tpu.memory_space<vmem>>[vector<16xi32>], vector<16xf32>,
      %mul3A_52 = arith.constant 16 : i32
      %mul3A_53 = arith.muli %scan3A_14, %mul3A_52 : i32
      %add3A_54 = arith.constant 1920 : i32
      %add3A_55 = arith.addi %add3A_54, %mul3A_53 : i32
      %swap3A_56 = arith.index_cast %add3A_55 : i32 to index
      %swap3A_57 = tpu.vector_load %arg8[%swap3A_56] {strides = array<i32>} : memref<3200xf32, #tpu.memory_space<vmem>>, vector<16xf32>,
      tpu.vector_store %arg8[%swap3A_56], %gather3A_51 {strides = array<i32>} : memref<3200xf32, #tpu.memory_space<vmem>>, vector<16xf32>,
      %add3A_58 = arith.constant 80000 : i32
      %add3A_59 = vector.broadcast %add3A_58 : i32 to vector<16xi32>
      %add3A_60 = arith.addi %min3A_19, %add3A_59 : vector<16xi32>
      %gather3A_61 = tpu.vector_load_idx %arg6[%add3A_60] : memref<100000xf32, #tpu.memory_space<vmem>>[vector<16xi32>], vector<16xf32>,
      %mul3A_62 = arith.constant 640 : i32
      %mul3A_63 = arith.muli %add3A, %mul3A_62 : i32
      %mul3A_64 = arith.constant 16 : i32
      %mul3A_65 = arith.muli %scan3A_14, %mul3A_64 : i32
      %add3A_66 = arith.addi %mul3A_63, %mul3A_65 : i32
      %iota3A = tpu.iota {dimensions = array<i32: 0>} : vector<16xi32>
      %add3A_67 = vector.broadcast %add3A_66 : i32 to vector<16xi32>
      %add3A_68 = arith.addi %add3A_67, %iota3A : vector<16xi32>
      %lt3A = arith.constant 20000 : i32
      %lt3A_69 = vector.broadcast %lt3A : i32 to vector<16xi32>
      %lt3A_70 = arith.cmpi slt, %add3A_68, %lt3A_69 : vector<16xi32>
      %jit3A = arith.constant -1.000000e+00 : f32
      %broadcast_in_dim3A = vector.broadcast %jit3A : f32 to vector<16xf32>
      %select_n3A = arith.select %lt3A_70, %gather3A_61, %broadcast_in_dim3A : vector<16xi1>, vector<16xf32>
      %mul3A_71 = arith.constant 16 : i32
      %mul3A_72 = arith.muli %scan3A_14, %mul3A_71 : i32
      %add3A_73 = arith.constant 2560 : i32
      %add3A_74 = arith.addi %add3A_73, %mul3A_72 : i32
      %swap3A_75 = arith.index_cast %add3A_74 : i32 to index
      %swap3A_76 = tpu.vector_load %arg8[%swap3A_75] {strides = array<i32>} : memref<3200xf32, #tpu.memory_space<vmem>>, vector<16xf32>,
      tpu.vector_store %arg8[%swap3A_75], %select_n3A {strides = array<i32>} : memref<3200xf32, #tpu.memory_space<vmem>>, vector<16xf32>,
    }
    %scan3A_9 = arith.constant 40 : i32
    %mul3A_10 = arith.constant 5 : i32
    %mul3A_11 = arith.muli %add3A, %mul3A_10 : i32
    %mul3A_12 = arith.constant 640 : i32
    %mul3A_13 = arith.muli %mul3A_11, %mul3A_12 : i32
    "tpu.region"() ({
      %run_scoped3A = tpu.sem_alloc : memref<!tpu.dma_semaphore, #tpu.memory_space<semaphore_mem>>
      %dma_start3A = tpu.memref_slice %arg4[%mul3A_13] : memref<102400xf32, #tpu.memory_space<hbm>> -> memref<3200xf32, #tpu.memory_space<hbm>>
      %dma_start3A_14 = tpu.memref_slice %arg4[%mul3A_13] : memref<102400xf32, #tpu.memory_space<hbm>> -> memref<3200xf32, #tpu.memory_space<hbm>>
      tpu.enqueue_dma source(%arg8 : memref<3200xf32, #tpu.memory_space<vmem>>) target(%dma_start3A_14 : memref<3200xf32, #tpu.memory_space<hbm>>) target_semaphore(%run_scoped3A : memref<!tpu.dma_semaphore, #tpu.memory_space<semaphore_mem>>)
      %dma_wait3A = tpu.memref_slice %arg4[%mul3A_13] : memref<102400xf32, #tpu.memory_space<hbm>> -> memref<3200xf32, #tpu.memory_space<hbm>>
      %dma_wait3A_15 = tpu.memref_slice %arg4[%mul3A_13] : memref<102400xf32, #tpu.memory_space<hbm>> -> memref<3200xf32, #tpu.memory_space<hbm>>
      tpu.wait_dma2 semaphore(%run_scoped3A : memref<!tpu.dma_semaphore, #tpu.memory_space<semaphore_mem>>) src(%arg8 : memref<3200xf32, #tpu.memory_space<vmem>>) dst(%dma_wait3A_15 : memref<3200xf32, #tpu.memory_space<hbm>>)
      tpu.yield
    }) : () -> ()
    return
  }
}

module attributes {stable_mosaic.version = 14 : i64} {
  func.func @_nms_kernel_body(%arg0: memref<32x5x640xf32, #tpu.memory_space<vmem>>, %arg1: memref<32x1x640xf32, #tpu.memory_space<vmem>>, %arg2: memref<32x1x640xf32, #tpu.memory_space<vmem>>) attributes {dimension_semantics = [], scalar_prefetch = 0 : i64, scratch_operands = 1 : i64, tpu.core_type = #tpu.core_type<tc>} {
    %broadcast_in_dim3A = arith.constant 0.000000e+00 : f32
    %broadcast_in_dim3A_0 = vector.broadcast %broadcast_in_dim3A : f32 to vector<32x1x640xf32>
    %swap3A = arith.constant 0 : index
    %swap3A_1 = arith.constant 0 : index
    %swap3A_2 = arith.constant 0 : index
    %swap3A_3 = vector.load %arg1[%swap3A, %swap3A_1, %swap3A_2] : memref<32x1x640xf32, #tpu.memory_space<vmem>>, vector<32x1x640xf32>
    tpu.vector_store %arg1[%swap3A, %swap3A_1, %swap3A_2], %broadcast_in_dim3A_0 {strides = array<i32>} : memref<32x1x640xf32, #tpu.memory_space<vmem>>, vector<32x1x640xf32>,
    %broadcast_in_dim3A_4 = arith.constant 0.000000e+00 : f32
    %broadcast_in_dim3A_5 = vector.broadcast %broadcast_in_dim3A_4 : f32 to vector<32x1x640xf32>
    %swap3A_6 = arith.constant 0 : index
    %swap3A_7 = arith.constant 0 : index
    %swap3A_8 = arith.constant 0 : index
    %swap3A_9 = vector.load %arg2[%swap3A_6, %swap3A_7, %swap3A_8] : memref<32x1x640xf32, #tpu.memory_space<vmem>>, vector<32x1x640xf32>
    tpu.vector_store %arg2[%swap3A_6, %swap3A_7, %swap3A_8], %broadcast_in_dim3A_5 {strides = array<i32>} : memref<32x1x640xf32, #tpu.memory_space<vmem>>, vector<32x1x640xf32>,
    %get3A = arith.constant 0 : index
    %get3A_10 = arith.constant 0 : index
    %get3A_11 = arith.constant 0 : index
    %get3A_12 = vector.load %arg0[%get3A, %get3A_10, %get3A_11] : memref<32x5x640xf32, #tpu.memory_space<vmem>>, vector<32x5x640xf32>
    %slice3A = vector.extract_strided_slice %get3A_12 {offsets = [0, 4, 0], sizes = [32, 1, 640], strides = [1, 1, 1]} : vector<32x5x640xf32> to vector<32x1x640xf32>
    %gt3A = arith.constant 5.000000e-01 : f32
    %gt3A_13 = vector.broadcast %gt3A : f32 to vector<32x1x640xf32>
    %gt3A_14 = arith.cmpf ogt, %slice3A, %gt3A_13 : vector<32x1x640xf32>
    %convert_element_type3A = arith.extui %gt3A_14 : vector<32x1x640xi1> to vector<32x1x640xi32>
    %reduce_sum3A = vector.shape_cast %convert_element_type3A : vector<32x1x640xi32> to vector<1x32x1x640xi32>
    %reduce_sum3A_15 = arith.constant dense<0> : vector<1xi32>
    %reduce_sum3A_16 = vector.multi_reduction <add>, %reduce_sum3A, %reduce_sum3A_15 [1, 2, 3] : vector<1x32x1x640xi32> to vector<1xi32>
    %reduce_sum3A_17 = vector.shape_cast %reduce_sum3A_16 : vector<1xi32> to vector<1x1x1x1xi32>
    %reduce_sum3A_18 = vector.extract %reduce_sum3A_17[0, 0, 0, 0] : i32 from vector<1x1x1x1xi32>
    %add3A = arith.constant 639 : i32
    %add3A_19 = arith.addi %reduce_sum3A_18, %add3A : i32
    %div3A = arith.constant 640 : i32
    %div3A_20 = arith.divsi %add3A_19, %div3A : i32
    %while3A = arith.constant 0 : i32
    %while3A_21 = arith.constant 0 : i32
    %while3A_22 = arith.subi %div3A_20, %while3A_21 : i32
    %while3A_23 = arith.addi %while3A_21, %while3A_22 : i32
    %while3A_24 = arith.constant 1 : i32
    %while3A_25 = arith.divsi %while3A_22, %while3A_24 : i32
    %while3A_26 = arith.muli %while3A_25, %while3A_24 : i32
    %while3A_27 = arith.addi %while3A_21, %while3A_26 : i32
    %while3A_28 = arith.constant 1 : i32
    scf.for %while3A_30 = %while3A_21 to %while3A_27 step %while3A_28  : i32 {
      %get3A_31 = arith.index_cast %while3A_30 : i32 to index
      %get3A_32 = arith.constant 0 : index
      %get3A_33 = arith.constant 0 : index
      %get3A_34 = vector.load %arg0[%get3A_31, %get3A_32, %get3A_33] : memref<32x5x640xf32, #tpu.memory_space<vmem>>, vector<1x5x640xf32>
      %get3A_35 = vector.shape_cast %get3A_34 : vector<1x5x640xf32> to vector<5x640xf32>
      %slice3A_36 = vector.extract_strided_slice %get3A_35 {offsets = [0, 0], sizes = [1, 640], strides = [1, 1]} : vector<5x640xf32> to vector<1x640xf32>
      %slice3A_37 = vector.extract_strided_slice %get3A_35 {offsets = [2, 0], sizes = [1, 640], strides = [1, 1]} : vector<5x640xf32> to vector<1x640xf32>
      %mul3A = arith.constant 5.000000e-01 : f32
      %mul3A_38 = vector.broadcast %mul3A : f32 to vector<1x640xf32>
      %mul3A_39 = arith.mulf %slice3A_37, %mul3A_38 : vector<1x640xf32>
      %sub3A = arith.subf %slice3A_36, %mul3A_39 : vector<1x640xf32>
      %slice3A_40 = vector.extract_strided_slice %get3A_35 {offsets = [1, 0], sizes = [1, 640], strides = [1, 1]} : vector<5x640xf32> to vector<1x640xf32>
      %slice3A_41 = vector.extract_strided_slice %get3A_35 {offsets = [3, 0], sizes = [1, 640], strides = [1, 1]} : vector<5x640xf32> to vector<1x640xf32>
      %mul3A_42 = arith.constant 5.000000e-01 : f32
      %mul3A_43 = vector.broadcast %mul3A_42 : f32 to vector<1x640xf32>
      %mul3A_44 = arith.mulf %slice3A_41, %mul3A_43 : vector<1x640xf32>
      %sub3A_45 = arith.subf %slice3A_40, %mul3A_44 : vector<1x640xf32>
      %slice3A_46 = vector.extract_strided_slice %get3A_35 {offsets = [0, 0], sizes = [1, 640], strides = [1, 1]} : vector<5x640xf32> to vector<1x640xf32>
      %slice3A_47 = vector.extract_strided_slice %get3A_35 {offsets = [2, 0], sizes = [1, 640], strides = [1, 1]} : vector<5x640xf32> to vector<1x640xf32>
      %mul3A_48 = arith.constant 5.000000e-01 : f32
      %mul3A_49 = vector.broadcast %mul3A_48 : f32 to vector<1x640xf32>
      %mul3A_50 = arith.mulf %slice3A_47, %mul3A_49 : vector<1x640xf32>
      %add3A_51 = arith.addf %slice3A_46, %mul3A_50 : vector<1x640xf32>
      %slice3A_52 = vector.extract_strided_slice %get3A_35 {offsets = [1, 0], sizes = [1, 640], strides = [1, 1]} : vector<5x640xf32> to vector<1x640xf32>
      %slice3A_53 = vector.extract_strided_slice %get3A_35 {offsets = [3, 0], sizes = [1, 640], strides = [1, 1]} : vector<5x640xf32> to vector<1x640xf32>
      %mul3A_54 = arith.constant 5.000000e-01 : f32
      %mul3A_55 = vector.broadcast %mul3A_54 : f32 to vector<1x640xf32>
      %mul3A_56 = arith.mulf %slice3A_53, %mul3A_55 : vector<1x640xf32>
      %add3A_57 = arith.addf %slice3A_52, %mul3A_56 : vector<1x640xf32>
      %sub3A_58 = arith.subf %add3A_51, %sub3A : vector<1x640xf32>
      %sub3A_59 = arith.subf %add3A_57, %sub3A_45 : vector<1x640xf32>
      %mul3A_60 = arith.mulf %sub3A_58, %sub3A_59 : vector<1x640xf32>
      %squeeze3A = vector.shape_cast %sub3A : vector<1x640xf32> to vector<640xf32>
      %broadcast_in_dim3A_61 = vector.shape_cast %squeeze3A : vector<640xf32> to vector<640x1xf32>
      %broadcast_in_dim3A_62 = vector.broadcast %broadcast_in_dim3A_61 : vector<640x1xf32> to vector<640x640xf32>
      %squeeze3A_63 = vector.shape_cast %sub3A_45 : vector<1x640xf32> to vector<640xf32>
      %broadcast_in_dim3A_64 = vector.shape_cast %squeeze3A_63 : vector<640xf32> to vector<640x1xf32>
      %broadcast_in_dim3A_65 = vector.broadcast %broadcast_in_dim3A_64 : vector<640x1xf32> to vector<640x640xf32>
      %squeeze3A_66 = vector.shape_cast %add3A_51 : vector<1x640xf32> to vector<640xf32>
      %broadcast_in_dim3A_67 = vector.shape_cast %squeeze3A_66 : vector<640xf32> to vector<640x1xf32>
      %broadcast_in_dim3A_68 = vector.broadcast %broadcast_in_dim3A_67 : vector<640x1xf32> to vector<640x640xf32>
      %squeeze3A_69 = vector.shape_cast %add3A_57 : vector<1x640xf32> to vector<640xf32>
      %broadcast_in_dim3A_70 = vector.shape_cast %squeeze3A_69 : vector<640xf32> to vector<640x1xf32>
      %broadcast_in_dim3A_71 = vector.broadcast %broadcast_in_dim3A_70 : vector<640x1xf32> to vector<640x640xf32>
      %squeeze3A_72 = vector.shape_cast %mul3A_60 : vector<1x640xf32> to vector<640xf32>
      %broadcast_in_dim3A_73 = vector.shape_cast %squeeze3A_72 : vector<640xf32> to vector<640x1xf32>
      %broadcast_in_dim3A_74 = vector.broadcast %broadcast_in_dim3A_73 : vector<640x1xf32> to vector<640x640xf32>
      %max3A = vector.broadcast %sub3A : vector<1x640xf32> to vector<640x640xf32>
      %max3A_75 = arith.maximumf %broadcast_in_dim3A_62, %max3A : vector<640x640xf32>
      %max3A_76 = vector.broadcast %sub3A_45 : vector<1x640xf32> to vector<640x640xf32>
      %max3A_77 = arith.maximumf %broadcast_in_dim3A_65, %max3A_76 : vector<640x640xf32>
      %min3A = vector.broadcast %add3A_51 : vector<1x640xf32> to vector<640x640xf32>
      %min3A_78 = arith.minimumf %broadcast_in_dim3A_68, %min3A : vector<640x640xf32>
      %min3A_79 = vector.broadcast %add3A_57 : vector<1x640xf32> to vector<640x640xf32>
      %min3A_80 = arith.minimumf %broadcast_in_dim3A_71, %min3A_79 : vector<640x640xf32>
      %sub3A_81 = arith.subf %min3A_78, %max3A_75 : vector<640x640xf32>
      %max3A_82 = arith.constant 0.000000e+00 : f32
      %max3A_83 = vector.broadcast %max3A_82 : f32 to vector<640x640xf32>
      %max3A_84 = arith.maximumf %sub3A_81, %max3A_83 : vector<640x640xf32>
      %sub3A_85 = arith.subf %min3A_80, %max3A_77 : vector<640x640xf32>
      %max3A_86 = arith.constant 0.000000e+00 : f32
      %max3A_87 = vector.broadcast %max3A_86 : f32 to vector<640x640xf32>
      %max3A_88 = arith.maximumf %sub3A_85, %max3A_87 : vector<640x640xf32>
      %mul3A_89 = arith.mulf %max3A_84, %max3A_88 : vector<640x640xf32>
      %add3A_90 = vector.broadcast %mul3A_60 : vector<1x640xf32> to vector<640x640xf32>
      %add3A_91 = arith.addf %broadcast_in_dim3A_74, %add3A_90 : vector<640x640xf32>
      %sub3A_92 = arith.subf %add3A_91, %mul3A_89 : vector<640x640xf32>
      %add3A_93 = arith.constant 9.99999971E-10 : f32
      %add3A_94 = vector.broadcast %add3A_93 : f32 to vector<640x640xf32>
      %add3A_95 = arith.addf %sub3A_92, %add3A_94 : vector<640x640xf32>
      %div3A_96 = arith.divf %mul3A_89, %add3A_95 : vector<640x640xf32>
      %gt3A_97 = arith.constant 0.699999988 : f32
      %gt3A_98 = vector.broadcast %gt3A_97 : f32 to vector<640x640xf32>
      %gt3A_99 = arith.cmpf ogt, %div3A_96, %gt3A_98 : vector<640x640xf32>
      %iota3A = tpu.iota {dimensions = array<i32: 0>} : vector<640x640xi32>
      %iota3A_100 = tpu.iota {dimensions = array<i32: 1>} : vector<640x640xi32>
      %gt3A_101 = arith.cmpi sgt, %iota3A_100, %iota3A : vector<640x640xi32>
      %and3A = arith.andi %gt3A_99, %gt3A_101 : vector<640x640xi1>
      %jit3A = arith.constant 1.000000e+00 : f32
      %jit3A_102 = arith.constant 0.000000e+00 : f32
      %broadcast_in_dim3A_103 = vector.broadcast %jit3A : f32 to vector<640x640xf32>
      %broadcast_in_dim3A_104 = vector.broadcast %jit3A_102 : f32 to vector<640x640xf32>
      %select_n3A = arith.select %and3A, %broadcast_in_dim3A_103, %broadcast_in_dim3A_104 : vector<640x640xi1>, vector<640x640xf32>
      %get3A_105 = arith.index_cast %while3A_30 : i32 to index
      %get3A_106 = arith.constant 0 : index
      %get3A_107 = arith.constant 0 : index
      %get3A_108 = vector.load %arg0[%get3A_105, %get3A_106, %get3A_107] : memref<32x5x640xf32, #tpu.memory_space<vmem>>, vector<1x5x640xf32>
      %get3A_109 = vector.shape_cast %get3A_108 : vector<1x5x640xf32> to vector<5x640xf32>
      %slice3A_110 = vector.extract_strided_slice %get3A_109 {offsets = [4, 0], sizes = [1, 640], strides = [1, 1]} : vector<5x640xf32> to vector<1x640xf32>
      %gt3A_111 = arith.constant 5.000000e-01 : f32
      %gt3A_112 = vector.broadcast %gt3A_111 : f32 to vector<1x640xf32>
      %gt3A_113 = arith.cmpf ogt, %slice3A_110, %gt3A_112 : vector<1x640xf32>
      %get3A_114 = arith.index_cast %while3A_30 : i32 to index
      %get3A_115 = arith.constant 0 : index
      %get3A_116 = arith.constant 0 : index
      %get3A_117 = vector.load %arg2[%get3A_114, %get3A_115, %get3A_116] : memref<32x1x640xf32, #tpu.memory_space<vmem>>, vector<1x1x640xf32>
      %get3A_118 = vector.shape_cast %get3A_117 : vector<1x1x640xf32> to vector<1x640xf32>
      %eq3A = arith.constant 0.000000e+00 : f32
      %eq3A_119 = vector.broadcast %eq3A : f32 to vector<1x640xf32>
      %eq3A_120 = arith.cmpf oeq, %get3A_118, %eq3A_119 : vector<1x640xf32>
      %and3A_121 = arith.andi %gt3A_113, %eq3A_120 : vector<1x640xi1>
      %jit3A_122 = arith.constant 1.000000e+00 : f32
      %jit3A_123 = arith.constant 0.000000e+00 : f32
      %broadcast_in_dim3A_124 = vector.broadcast %jit3A_122 : f32 to vector<1x640xf32>
      %broadcast_in_dim3A_125 = vector.broadcast %jit3A_123 : f32 to vector<1x640xf32>
      %select_n3A_126 = arith.select %and3A_121, %broadcast_in_dim3A_124, %broadcast_in_dim3A_125 : vector<1x640xi1>, vector<1x640xf32>
      %dot_general3A = arith.constant dense<0.000000e+00> : vector<1x640xf32>
      %dot_general3A_127 = tpu.matmul %select_n3A_126, %select_n3A, %dot_general3A {dimension_numbers = #tpu.dot_dimension_numbers<[1], [0], [0], [1], [0, 0, 1, 1], [], []>, transpose_lhs_hint = false} : vector<1x640xf32>, vector<640x640xf32>, vector<1x640xf32> -> vector<1x640xf32>
      %gt3A_128 = arith.constant 0.000000e+00 : f32
      %gt3A_129 = vector.broadcast %gt3A_128 : f32 to vector<1x640xf32>
      %gt3A_130 = arith.cmpf ogt, %dot_general3A_127, %gt3A_129 : vector<1x640xf32>
      %jit3A_131 = arith.constant 0.000000e+00 : f32
      %jit3A_132 = arith.constant 1.000000e+00 : f32
      %broadcast_in_dim3A_133 = vector.broadcast %jit3A_131 : f32 to vector<1x640xf32>
      %broadcast_in_dim3A_134 = vector.broadcast %jit3A_132 : f32 to vector<1x640xf32>
      %select_n3A_135 = arith.select %gt3A_130, %broadcast_in_dim3A_133, %broadcast_in_dim3A_134 : vector<1x640xi1>, vector<1x640xf32>
      %mul3A_136 = arith.mulf %select_n3A_126, %select_n3A_135 : vector<1x640xf32>
      %while3A_137:2 = scf.while (%while3A_154 = %select_n3A_126, %while3A_155 = %mul3A_136) : (vector<1x640xf32>, vector<1x640xf32>) -> (vector<1x640xf32>, vector<1x640xf32>) {
        %ne3A = arith.cmpf one, %while3A_154, %while3A_155 : vector<1x640xf32>
        %reduce_or3A = arith.constant 1.000000e+00 : f32
        %reduce_or3A_156 = arith.constant 0.000000e+00 : f32
        %reduce_or3A_157 = vector.broadcast %reduce_or3A : f32 to vector<1x640xf32>
        %reduce_or3A_158 = vector.broadcast %reduce_or3A_156 : f32 to vector<1x640xf32>
        %reduce_or3A_159 = arith.select %ne3A, %reduce_or3A_157, %reduce_or3A_158 : vector<1x640xi1>, vector<1x640xf32>
        %reduce_or3A_160 = vector.shape_cast %reduce_or3A_159 : vector<1x640xf32> to vector<1x1x640xf32>
        %reduce_or3A_161 = arith.constant dense<0xFF800000> : vector<1xf32>
        %reduce_or3A_162 = vector.multi_reduction <maximumf>, %reduce_or3A_160, %reduce_or3A_161 [1, 2] : vector<1x1x640xf32> to vector<1xf32>
        %reduce_or3A_163 = vector.shape_cast %reduce_or3A_162 : vector<1xf32> to vector<1x1x1xf32>
        %reduce_or3A_164 = vector.extract %reduce_or3A_163[0, 0, 0] : f32 from vector<1x1x1xf32>
        %reduce_or3A_165 = arith.constant 0.000000e+00 : f32
        %reduce_or3A_166 = arith.cmpf ogt, %reduce_or3A_164, %reduce_or3A_165 : f32
        scf.condition(%reduce_or3A_166) %while3A_154, %while3A_155 : vector<1x640xf32>, vector<1x640xf32>
      } do {
      ^bb0(%while3A_154: vector<1x640xf32>, %while3A_155: vector<1x640xf32>):
        %dot_general3A_156 = arith.constant dense<0.000000e+00> : vector<1x640xf32>
        %dot_general3A_157 = tpu.matmul %while3A_155, %select_n3A, %dot_general3A_156 {dimension_numbers = #tpu.dot_dimension_numbers<[1], [0], [0], [1], [0, 0, 1, 1], [], []>, transpose_lhs_hint = false} : vector<1x640xf32>, vector<640x640xf32>, vector<1x640xf32> -> vector<1x640xf32>
        %gt3A_158 = arith.constant 0.000000e+00 : f32
        %gt3A_159 = vector.broadcast %gt3A_158 : f32 to vector<1x640xf32>
        %gt3A_160 = arith.cmpf ogt, %dot_general3A_157, %gt3A_159 : vector<1x640xf32>
        %jit3A_161 = arith.constant 0.000000e+00 : f32
        %jit3A_162 = arith.constant 1.000000e+00 : f32
        %broadcast_in_dim3A_163 = vector.broadcast %jit3A_161 : f32 to vector<1x640xf32>
        %broadcast_in_dim3A_164 = vector.broadcast %jit3A_162 : f32 to vector<1x640xf32>
        %select_n3A_165 = arith.select %gt3A_160, %broadcast_in_dim3A_163, %broadcast_in_dim3A_164 : vector<1x640xi1>, vector<1x640xf32>
        %mul3A_166 = arith.mulf %select_n3A_126, %select_n3A_165 : vector<1x640xf32>
        scf.yield %while3A_155, %mul3A_166 : vector<1x640xf32>, vector<1x640xf32>
      }
      %swap3A_138 = arith.index_cast %while3A_30 : i32 to index
      %swap3A_139 = arith.constant 0 : index
      %swap3A_140 = arith.constant 0 : index
      %swap3A_141 = vector.load %arg1[%swap3A_138, %swap3A_139, %swap3A_140] : memref<32x1x640xf32, #tpu.memory_space<vmem>>, vector<1x1x640xf32>
      %swap3A_142 = vector.shape_cast %swap3A_141 : vector<1x1x640xf32> to vector<1x640xf32>
      %swap3A_143 = vector.shape_cast %while3A_137#1 : vector<1x640xf32> to vector<1x1x640xf32>
      tpu.vector_store %arg1[%swap3A_138, %swap3A_139, %swap3A_140], %swap3A_143 {strides = array<i32>} : memref<32x1x640xf32, #tpu.memory_space<vmem>>, vector<1x1x640xf32>,
      %add3A_144 = arith.constant 1 : i32
      %add3A_145 = arith.addi %while3A_30, %add3A_144 : i32
      %while3A_146 = arith.subi %div3A_20, %add3A_145 : i32
      %while3A_147 = arith.addi %add3A_145, %while3A_146 : i32
      %while3A_148 = arith.constant 1 : i32
      %while3A_149 = arith.divsi %while3A_146, %while3A_148 : i32
      %while3A_150 = arith.muli %while3A_149, %while3A_148 : i32
      %while3A_151 = arith.addi %add3A_145, %while3A_150 : i32
      %while3A_152 = arith.constant 1 : i32
      scf.for %while3A_154 = %add3A_145 to %while3A_151 step %while3A_152  : i32 {
        %get3A_155 = arith.index_cast %while3A_154 : i32 to index
        %get3A_156 = arith.constant 0 : index
        %get3A_157 = arith.constant 0 : index
        %get3A_158 = vector.load %arg0[%get3A_155, %get3A_156, %get3A_157] : memref<32x5x640xf32, #tpu.memory_space<vmem>>, vector<1x5x640xf32>
        %get3A_159 = vector.shape_cast %get3A_158 : vector<1x5x640xf32> to vector<5x640xf32>
        %slice3A_160 = vector.extract_strided_slice %get3A_159 {offsets = [0, 0], sizes = [1, 640], strides = [1, 1]} : vector<5x640xf32> to vector<1x640xf32>
        %slice3A_161 = vector.extract_strided_slice %get3A_159 {offsets = [2, 0], sizes = [1, 640], strides = [1, 1]} : vector<5x640xf32> to vector<1x640xf32>
        %mul3A_162 = arith.constant 5.000000e-01 : f32
        %mul3A_163 = vector.broadcast %mul3A_162 : f32 to vector<1x640xf32>
        %mul3A_164 = arith.mulf %slice3A_161, %mul3A_163 : vector<1x640xf32>
        %sub3A_165 = arith.subf %slice3A_160, %mul3A_164 : vector<1x640xf32>
        %slice3A_166 = vector.extract_strided_slice %get3A_159 {offsets = [1, 0], sizes = [1, 640], strides = [1, 1]} : vector<5x640xf32> to vector<1x640xf32>
        %slice3A_167 = vector.extract_strided_slice %get3A_159 {offsets = [3, 0], sizes = [1, 640], strides = [1, 1]} : vector<5x640xf32> to vector<1x640xf32>
        %mul3A_168 = arith.constant 5.000000e-01 : f32
        %mul3A_169 = vector.broadcast %mul3A_168 : f32 to vector<1x640xf32>
        %mul3A_170 = arith.mulf %slice3A_167, %mul3A_169 : vector<1x640xf32>
        %sub3A_171 = arith.subf %slice3A_166, %mul3A_170 : vector<1x640xf32>
        %slice3A_172 = vector.extract_strided_slice %get3A_159 {offsets = [0, 0], sizes = [1, 640], strides = [1, 1]} : vector<5x640xf32> to vector<1x640xf32>
        %slice3A_173 = vector.extract_strided_slice %get3A_159 {offsets = [2, 0], sizes = [1, 640], strides = [1, 1]} : vector<5x640xf32> to vector<1x640xf32>
        %mul3A_174 = arith.constant 5.000000e-01 : f32
        %mul3A_175 = vector.broadcast %mul3A_174 : f32 to vector<1x640xf32>
        %mul3A_176 = arith.mulf %slice3A_173, %mul3A_175 : vector<1x640xf32>
        %add3A_177 = arith.addf %slice3A_172, %mul3A_176 : vector<1x640xf32>
        %slice3A_178 = vector.extract_strided_slice %get3A_159 {offsets = [1, 0], sizes = [1, 640], strides = [1, 1]} : vector<5x640xf32> to vector<1x640xf32>
        %slice3A_179 = vector.extract_strided_slice %get3A_159 {offsets = [3, 0], sizes = [1, 640], strides = [1, 1]} : vector<5x640xf32> to vector<1x640xf32>
        %mul3A_180 = arith.constant 5.000000e-01 : f32
        %mul3A_181 = vector.broadcast %mul3A_180 : f32 to vector<1x640xf32>
        %mul3A_182 = arith.mulf %slice3A_179, %mul3A_181 : vector<1x640xf32>
        %add3A_183 = arith.addf %slice3A_178, %mul3A_182 : vector<1x640xf32>
        %sub3A_184 = arith.subf %add3A_177, %sub3A_165 : vector<1x640xf32>
        %sub3A_185 = arith.subf %add3A_183, %sub3A_171 : vector<1x640xf32>
        %mul3A_186 = arith.mulf %sub3A_184, %sub3A_185 : vector<1x640xf32>
        %max3A_187 = vector.broadcast %sub3A_165 : vector<1x640xf32> to vector<640x640xf32>
        %max3A_188 = arith.maximumf %broadcast_in_dim3A_62, %max3A_187 : vector<640x640xf32>
        %max3A_189 = vector.broadcast %sub3A_171 : vector<1x640xf32> to vector<640x640xf32>
        %max3A_190 = arith.maximumf %broadcast_in_dim3A_65, %max3A_189 : vector<640x640xf32>
        %min3A_191 = vector.broadcast %add3A_177 : vector<1x640xf32> to vector<640x640xf32>
        %min3A_192 = arith.minimumf %broadcast_in_dim3A_68, %min3A_191 : vector<640x640xf32>
        %min3A_193 = vector.broadcast %add3A_183 : vector<1x640xf32> to vector<640x640xf32>
        %min3A_194 = arith.minimumf %broadcast_in_dim3A_71, %min3A_193 : vector<640x640xf32>
        %sub3A_195 = arith.subf %min3A_192, %max3A_188 : vector<640x640xf32>
        %max3A_196 = arith.constant 0.000000e+00 : f32
        %max3A_197 = vector.broadcast %max3A_196 : f32 to vector<640x640xf32>
        %max3A_198 = arith.maximumf %sub3A_195, %max3A_197 : vector<640x640xf32>
        %sub3A_199 = arith.subf %min3A_194, %max3A_190 : vector<640x640xf32>
        %max3A_200 = arith.constant 0.000000e+00 : f32
        %max3A_201 = vector.broadcast %max3A_200 : f32 to vector<640x640xf32>
        %max3A_202 = arith.maximumf %sub3A_199, %max3A_201 : vector<640x640xf32>
        %mul3A_203 = arith.mulf %max3A_198, %max3A_202 : vector<640x640xf32>
        %add3A_204 = vector.broadcast %mul3A_186 : vector<1x640xf32> to vector<640x640xf32>
        %add3A_205 = arith.addf %broadcast_in_dim3A_74, %add3A_204 : vector<640x640xf32>
        %sub3A_206 = arith.subf %add3A_205, %mul3A_203 : vector<640x640xf32>
        %add3A_207 = arith.constant 9.99999971E-10 : f32
        %add3A_208 = vector.broadcast %add3A_207 : f32 to vector<640x640xf32>
        %add3A_209 = arith.addf %sub3A_206, %add3A_208 : vector<640x640xf32>
        %div3A_210 = arith.divf %mul3A_203, %add3A_209 : vector<640x640xf32>
        %gt3A_211 = arith.constant 0.699999988 : f32
        %gt3A_212 = vector.broadcast %gt3A_211 : f32 to vector<640x640xf32>
        %gt3A_213 = arith.cmpf ogt, %div3A_210, %gt3A_212 : vector<640x640xf32>
        %jit3A_214 = arith.constant 1.000000e+00 : f32
        %jit3A_215 = arith.constant 0.000000e+00 : f32
        %broadcast_in_dim3A_216 = vector.broadcast %jit3A_214 : f32 to vector<640x640xf32>
        %broadcast_in_dim3A_217 = vector.broadcast %jit3A_215 : f32 to vector<640x640xf32>
        %select_n3A_218 = arith.select %gt3A_213, %broadcast_in_dim3A_216, %broadcast_in_dim3A_217 : vector<640x640xi1>, vector<640x640xf32>
        %dot_general3A_219 = arith.constant dense<0.000000e+00> : vector<1x640xf32>
        %dot_general3A_220 = tpu.matmul %while3A_137#1, %select_n3A_218, %dot_general3A_219 {dimension_numbers = #tpu.dot_dimension_numbers<[1], [0], [0], [1], [0, 0, 1, 1], [], []>, transpose_lhs_hint = false} : vector<1x640xf32>, vector<640x640xf32>, vector<1x640xf32> -> vector<1x640xf32>
        %get3A_221 = arith.index_cast %while3A_154 : i32 to index
        %get3A_222 = arith.constant 0 : index
        %get3A_223 = arith.constant 0 : index
        %get3A_224 = vector.load %arg2[%get3A_221, %get3A_222, %get3A_223] : memref<32x1x640xf32, #tpu.memory_space<vmem>>, vector<1x1x640xf32>
        %get3A_225 = vector.shape_cast %get3A_224 : vector<1x1x640xf32> to vector<1x640xf32>
        %gt3A_226 = arith.constant 0.000000e+00 : f32
        %gt3A_227 = vector.broadcast %gt3A_226 : f32 to vector<1x640xf32>
        %gt3A_228 = arith.cmpf ogt, %dot_general3A_220, %gt3A_227 : vector<1x640xf32>
        %jit3A_229 = arith.constant 1.000000e+00 : f32
        %jit3A_230 = arith.constant 0.000000e+00 : f32
        %broadcast_in_dim3A_231 = vector.broadcast %jit3A_229 : f32 to vector<1x640xf32>
        %broadcast_in_dim3A_232 = vector.broadcast %jit3A_230 : f32 to vector<1x640xf32>
        %select_n3A_233 = arith.select %gt3A_228, %broadcast_in_dim3A_231, %broadcast_in_dim3A_232 : vector<1x640xi1>, vector<1x640xf32>
        %max3A_234 = arith.maximumf %get3A_225, %select_n3A_233 : vector<1x640xf32>
        %swap3A_235 = arith.index_cast %while3A_154 : i32 to index
        %swap3A_236 = arith.constant 0 : index
        %swap3A_237 = arith.constant 0 : index
        %swap3A_238 = vector.load %arg2[%swap3A_235, %swap3A_236, %swap3A_237] : memref<32x1x640xf32, #tpu.memory_space<vmem>>, vector<1x1x640xf32>
        %swap3A_239 = vector.shape_cast %swap3A_238 : vector<1x1x640xf32> to vector<1x640xf32>
        %swap3A_240 = vector.shape_cast %max3A_234 : vector<1x640xf32> to vector<1x1x640xf32>
        tpu.vector_store %arg2[%swap3A_235, %swap3A_236, %swap3A_237], %swap3A_240 {strides = array<i32>} : memref<32x1x640xf32, #tpu.memory_space<vmem>>, vector<1x1x640xf32>,
      }
      %while3A_153 = arith.constant 1 : i32
      scf.for %while3A_154 = %while3A_151 to %while3A_147 step %while3A_153  : i32 {
        %get3A_155 = arith.index_cast %while3A_154 : i32 to index
        %get3A_156 = arith.constant 0 : index
        %get3A_157 = arith.constant 0 : index
        %get3A_158 = vector.load %arg0[%get3A_155, %get3A_156, %get3A_157] : memref<32x5x640xf32, #tpu.memory_space<vmem>>, vector<1x5x640xf32>
        %get3A_159 = vector.shape_cast %get3A_158 : vector<1x5x640xf32> to vector<5x640xf32>
        %slice3A_160 = vector.extract_strided_slice %get3A_159 {offsets = [0, 0], sizes = [1, 640], strides = [1, 1]} : vector<5x640xf32> to vector<1x640xf32>
        %slice3A_161 = vector.extract_strided_slice %get3A_159 {offsets = [2, 0], sizes = [1, 640], strides = [1, 1]} : vector<5x640xf32> to vector<1x640xf32>
        %mul3A_162 = arith.constant 5.000000e-01 : f32
        %mul3A_163 = vector.broadcast %mul3A_162 : f32 to vector<1x640xf32>
        %mul3A_164 = arith.mulf %slice3A_161, %mul3A_163 : vector<1x640xf32>
        %sub3A_165 = arith.subf %slice3A_160, %mul3A_164 : vector<1x640xf32>
        %slice3A_166 = vector.extract_strided_slice %get3A_159 {offsets = [1, 0], sizes = [1, 640], strides = [1, 1]} : vector<5x640xf32> to vector<1x640xf32>
        %slice3A_167 = vector.extract_strided_slice %get3A_159 {offsets = [3, 0], sizes = [1, 640], strides = [1, 1]} : vector<5x640xf32> to vector<1x640xf32>
        %mul3A_168 = arith.constant 5.000000e-01 : f32
        %mul3A_169 = vector.broadcast %mul3A_168 : f32 to vector<1x640xf32>
        %mul3A_170 = arith.mulf %slice3A_167, %mul3A_169 : vector<1x640xf32>
        %sub3A_171 = arith.subf %slice3A_166, %mul3A_170 : vector<1x640xf32>
        %slice3A_172 = vector.extract_strided_slice %get3A_159 {offsets = [0, 0], sizes = [1, 640], strides = [1, 1]} : vector<5x640xf32> to vector<1x640xf32>
        %slice3A_173 = vector.extract_strided_slice %get3A_159 {offsets = [2, 0], sizes = [1, 640], strides = [1, 1]} : vector<5x640xf32> to vector<1x640xf32>
        %mul3A_174 = arith.constant 5.000000e-01 : f32
        %mul3A_175 = vector.broadcast %mul3A_174 : f32 to vector<1x640xf32>
        %mul3A_176 = arith.mulf %slice3A_173, %mul3A_175 : vector<1x640xf32>
        %add3A_177 = arith.addf %slice3A_172, %mul3A_176 : vector<1x640xf32>
        %slice3A_178 = vector.extract_strided_slice %get3A_159 {offsets = [1, 0], sizes = [1, 640], strides = [1, 1]} : vector<5x640xf32> to vector<1x640xf32>
        %slice3A_179 = vector.extract_strided_slice %get3A_159 {offsets = [3, 0], sizes = [1, 640], strides = [1, 1]} : vector<5x640xf32> to vector<1x640xf32>
        %mul3A_180 = arith.constant 5.000000e-01 : f32
        %mul3A_181 = vector.broadcast %mul3A_180 : f32 to vector<1x640xf32>
        %mul3A_182 = arith.mulf %slice3A_179, %mul3A_181 : vector<1x640xf32>
        %add3A_183 = arith.addf %slice3A_178, %mul3A_182 : vector<1x640xf32>
        %sub3A_184 = arith.subf %add3A_177, %sub3A_165 : vector<1x640xf32>
        %sub3A_185 = arith.subf %add3A_183, %sub3A_171 : vector<1x640xf32>
        %mul3A_186 = arith.mulf %sub3A_184, %sub3A_185 : vector<1x640xf32>
        %max3A_187 = vector.broadcast %sub3A_165 : vector<1x640xf32> to vector<640x640xf32>
        %max3A_188 = arith.maximumf %broadcast_in_dim3A_62, %max3A_187 : vector<640x640xf32>
        %max3A_189 = vector.broadcast %sub3A_171 : vector<1x640xf32> to vector<640x640xf32>
        %max3A_190 = arith.maximumf %broadcast_in_dim3A_65, %max3A_189 : vector<640x640xf32>
        %min3A_191 = vector.broadcast %add3A_177 : vector<1x640xf32> to vector<640x640xf32>
        %min3A_192 = arith.minimumf %broadcast_in_dim3A_68, %min3A_191 : vector<640x640xf32>
        %min3A_193 = vector.broadcast %add3A_183 : vector<1x640xf32> to vector<640x640xf32>
        %min3A_194 = arith.minimumf %broadcast_in_dim3A_71, %min3A_193 : vector<640x640xf32>
        %sub3A_195 = arith.subf %min3A_192, %max3A_188 : vector<640x640xf32>
        %max3A_196 = arith.constant 0.000000e+00 : f32
        %max3A_197 = vector.broadcast %max3A_196 : f32 to vector<640x640xf32>
        %max3A_198 = arith.maximumf %sub3A_195, %max3A_197 : vector<640x640xf32>
        %sub3A_199 = arith.subf %min3A_194, %max3A_190 : vector<640x640xf32>
        %max3A_200 = arith.constant 0.000000e+00 : f32
        %max3A_201 = vector.broadcast %max3A_200 : f32 to vector<640x640xf32>
        %max3A_202 = arith.maximumf %sub3A_199, %max3A_201 : vector<640x640xf32>
        %mul3A_203 = arith.mulf %max3A_198, %max3A_202 : vector<640x640xf32>
        %add3A_204 = vector.broadcast %mul3A_186 : vector<1x640xf32> to vector<640x640xf32>
        %add3A_205 = arith.addf %broadcast_in_dim3A_74, %add3A_204 : vector<640x640xf32>
        %sub3A_206 = arith.subf %add3A_205, %mul3A_203 : vector<640x640xf32>
        %add3A_207 = arith.constant 9.99999971E-10 : f32
        %add3A_208 = vector.broadcast %add3A_207 : f32 to vector<640x640xf32>
        %add3A_209 = arith.addf %sub3A_206, %add3A_208 : vector<640x640xf32>
        %div3A_210 = arith.divf %mul3A_203, %add3A_209 : vector<640x640xf32>
        %gt3A_211 = arith.constant 0.699999988 : f32
        %gt3A_212 = vector.broadcast %gt3A_211 : f32 to vector<640x640xf32>
        %gt3A_213 = arith.cmpf ogt, %div3A_210, %gt3A_212 : vector<640x640xf32>
        %jit3A_214 = arith.constant 1.000000e+00 : f32
        %jit3A_215 = arith.constant 0.000000e+00 : f32
        %broadcast_in_dim3A_216 = vector.broadcast %jit3A_214 : f32 to vector<640x640xf32>
        %broadcast_in_dim3A_217 = vector.broadcast %jit3A_215 : f32 to vector<640x640xf32>
        %select_n3A_218 = arith.select %gt3A_213, %broadcast_in_dim3A_216, %broadcast_in_dim3A_217 : vector<640x640xi1>, vector<640x640xf32>
        %dot_general3A_219 = arith.constant dense<0.000000e+00> : vector<1x640xf32>
        %dot_general3A_220 = tpu.matmul %while3A_137#1, %select_n3A_218, %dot_general3A_219 {dimension_numbers = #tpu.dot_dimension_numbers<[1], [0], [0], [1], [0, 0, 1, 1], [], []>, transpose_lhs_hint = false} : vector<1x640xf32>, vector<640x640xf32>, vector<1x640xf32> -> vector<1x640xf32>
        %get3A_221 = arith.index_cast %while3A_154 : i32 to index
        %get3A_222 = arith.constant 0 : index
        %get3A_223 = arith.constant 0 : index
        %get3A_224 = vector.load %arg2[%get3A_221, %get3A_222, %get3A_223] : memref<32x1x640xf32, #tpu.memory_space<vmem>>, vector<1x1x640xf32>
        %get3A_225 = vector.shape_cast %get3A_224 : vector<1x1x640xf32> to vector<1x640xf32>
        %gt3A_226 = arith.constant 0.000000e+00 : f32
        %gt3A_227 = vector.broadcast %gt3A_226 : f32 to vector<1x640xf32>
        %gt3A_228 = arith.cmpf ogt, %dot_general3A_220, %gt3A_227 : vector<1x640xf32>
        %jit3A_229 = arith.constant 1.000000e+00 : f32
        %jit3A_230 = arith.constant 0.000000e+00 : f32
        %broadcast_in_dim3A_231 = vector.broadcast %jit3A_229 : f32 to vector<1x640xf32>
        %broadcast_in_dim3A_232 = vector.broadcast %jit3A_230 : f32 to vector<1x640xf32>
        %select_n3A_233 = arith.select %gt3A_228, %broadcast_in_dim3A_231, %broadcast_in_dim3A_232 : vector<1x640xi1>, vector<1x640xf32>
        %max3A_234 = arith.maximumf %get3A_225, %select_n3A_233 : vector<1x640xf32>
        %swap3A_235 = arith.index_cast %while3A_154 : i32 to index
        %swap3A_236 = arith.constant 0 : index
        %swap3A_237 = arith.constant 0 : index
        %swap3A_238 = vector.load %arg2[%swap3A_235, %swap3A_236, %swap3A_237] : memref<32x1x640xf32, #tpu.memory_space<vmem>>, vector<1x1x640xf32>
        %swap3A_239 = vector.shape_cast %swap3A_238 : vector<1x1x640xf32> to vector<1x640xf32>
        %swap3A_240 = vector.shape_cast %max3A_234 : vector<1x640xf32> to vector<1x1x640xf32>
        tpu.vector_store %arg2[%swap3A_235, %swap3A_236, %swap3A_237], %swap3A_240 {strides = array<i32>} : memref<32x1x640xf32, #tpu.memory_space<vmem>>, vector<1x1x640xf32>,
      }
    }
    %while3A_29 = arith.constant 1 : i32
    scf.for %while3A_30 = %while3A_27 to %while3A_23 step %while3A_29  : i32 {
      %get3A_31 = arith.index_cast %while3A_30 : i32 to index
      %get3A_32 = arith.constant 0 : index
      %get3A_33 = arith.constant 0 : index
      %get3A_34 = vector.load %arg0[%get3A_31, %get3A_32, %get3A_33] : memref<32x5x640xf32, #tpu.memory_space<vmem>>, vector<1x5x640xf32>
      %get3A_35 = vector.shape_cast %get3A_34 : vector<1x5x640xf32> to vector<5x640xf32>
      %slice3A_36 = vector.extract_strided_slice %get3A_35 {offsets = [0, 0], sizes = [1, 640], strides = [1, 1]} : vector<5x640xf32> to vector<1x640xf32>
      %slice3A_37 = vector.extract_strided_slice %get3A_35 {offsets = [2, 0], sizes = [1, 640], strides = [1, 1]} : vector<5x640xf32> to vector<1x640xf32>
      %mul3A = arith.constant 5.000000e-01 : f32
      %mul3A_38 = vector.broadcast %mul3A : f32 to vector<1x640xf32>
      %mul3A_39 = arith.mulf %slice3A_37, %mul3A_38 : vector<1x640xf32>
      %sub3A = arith.subf %slice3A_36, %mul3A_39 : vector<1x640xf32>
      %slice3A_40 = vector.extract_strided_slice %get3A_35 {offsets = [1, 0], sizes = [1, 640], strides = [1, 1]} : vector<5x640xf32> to vector<1x640xf32>
      %slice3A_41 = vector.extract_strided_slice %get3A_35 {offsets = [3, 0], sizes = [1, 640], strides = [1, 1]} : vector<5x640xf32> to vector<1x640xf32>
      %mul3A_42 = arith.constant 5.000000e-01 : f32
      %mul3A_43 = vector.broadcast %mul3A_42 : f32 to vector<1x640xf32>
      %mul3A_44 = arith.mulf %slice3A_41, %mul3A_43 : vector<1x640xf32>
      %sub3A_45 = arith.subf %slice3A_40, %mul3A_44 : vector<1x640xf32>
      %slice3A_46 = vector.extract_strided_slice %get3A_35 {offsets = [0, 0], sizes = [1, 640], strides = [1, 1]} : vector<5x640xf32> to vector<1x640xf32>
      %slice3A_47 = vector.extract_strided_slice %get3A_35 {offsets = [2, 0], sizes = [1, 640], strides = [1, 1]} : vector<5x640xf32> to vector<1x640xf32>
      %mul3A_48 = arith.constant 5.000000e-01 : f32
      %mul3A_49 = vector.broadcast %mul3A_48 : f32 to vector<1x640xf32>
      %mul3A_50 = arith.mulf %slice3A_47, %mul3A_49 : vector<1x640xf32>
      %add3A_51 = arith.addf %slice3A_46, %mul3A_50 : vector<1x640xf32>
      %slice3A_52 = vector.extract_strided_slice %get3A_35 {offsets = [1, 0], sizes = [1, 640], strides = [1, 1]} : vector<5x640xf32> to vector<1x640xf32>
      %slice3A_53 = vector.extract_strided_slice %get3A_35 {offsets = [3, 0], sizes = [1, 640], strides = [1, 1]} : vector<5x640xf32> to vector<1x640xf32>
      %mul3A_54 = arith.constant 5.000000e-01 : f32
      %mul3A_55 = vector.broadcast %mul3A_54 : f32 to vector<1x640xf32>
      %mul3A_56 = arith.mulf %slice3A_53, %mul3A_55 : vector<1x640xf32>
      %add3A_57 = arith.addf %slice3A_52, %mul3A_56 : vector<1x640xf32>
      %sub3A_58 = arith.subf %add3A_51, %sub3A : vector<1x640xf32>
      %sub3A_59 = arith.subf %add3A_57, %sub3A_45 : vector<1x640xf32>
      %mul3A_60 = arith.mulf %sub3A_58, %sub3A_59 : vector<1x640xf32>
      %squeeze3A = vector.shape_cast %sub3A : vector<1x640xf32> to vector<640xf32>
      %broadcast_in_dim3A_61 = vector.shape_cast %squeeze3A : vector<640xf32> to vector<640x1xf32>
      %broadcast_in_dim3A_62 = vector.broadcast %broadcast_in_dim3A_61 : vector<640x1xf32> to vector<640x640xf32>
      %squeeze3A_63 = vector.shape_cast %sub3A_45 : vector<1x640xf32> to vector<640xf32>
      %broadcast_in_dim3A_64 = vector.shape_cast %squeeze3A_63 : vector<640xf32> to vector<640x1xf32>
      %broadcast_in_dim3A_65 = vector.broadcast %broadcast_in_dim3A_64 : vector<640x1xf32> to vector<640x640xf32>
      %squeeze3A_66 = vector.shape_cast %add3A_51 : vector<1x640xf32> to vector<640xf32>
      %broadcast_in_dim3A_67 = vector.shape_cast %squeeze3A_66 : vector<640xf32> to vector<640x1xf32>
      %broadcast_in_dim3A_68 = vector.broadcast %broadcast_in_dim3A_67 : vector<640x1xf32> to vector<640x640xf32>
      %squeeze3A_69 = vector.shape_cast %add3A_57 : vector<1x640xf32> to vector<640xf32>
      %broadcast_in_dim3A_70 = vector.shape_cast %squeeze3A_69 : vector<640xf32> to vector<640x1xf32>
      %broadcast_in_dim3A_71 = vector.broadcast %broadcast_in_dim3A_70 : vector<640x1xf32> to vector<640x640xf32>
      %squeeze3A_72 = vector.shape_cast %mul3A_60 : vector<1x640xf32> to vector<640xf32>
      %broadcast_in_dim3A_73 = vector.shape_cast %squeeze3A_72 : vector<640xf32> to vector<640x1xf32>
      %broadcast_in_dim3A_74 = vector.broadcast %broadcast_in_dim3A_73 : vector<640x1xf32> to vector<640x640xf32>
      %max3A = vector.broadcast %sub3A : vector<1x640xf32> to vector<640x640xf32>
      %max3A_75 = arith.maximumf %broadcast_in_dim3A_62, %max3A : vector<640x640xf32>
      %max3A_76 = vector.broadcast %sub3A_45 : vector<1x640xf32> to vector<640x640xf32>
      %max3A_77 = arith.maximumf %broadcast_in_dim3A_65, %max3A_76 : vector<640x640xf32>
      %min3A = vector.broadcast %add3A_51 : vector<1x640xf32> to vector<640x640xf32>
      %min3A_78 = arith.minimumf %broadcast_in_dim3A_68, %min3A : vector<640x640xf32>
      %min3A_79 = vector.broadcast %add3A_57 : vector<1x640xf32> to vector<640x640xf32>
      %min3A_80 = arith.minimumf %broadcast_in_dim3A_71, %min3A_79 : vector<640x640xf32>
      %sub3A_81 = arith.subf %min3A_78, %max3A_75 : vector<640x640xf32>
      %max3A_82 = arith.constant 0.000000e+00 : f32
      %max3A_83 = vector.broadcast %max3A_82 : f32 to vector<640x640xf32>
      %max3A_84 = arith.maximumf %sub3A_81, %max3A_83 : vector<640x640xf32>
      %sub3A_85 = arith.subf %min3A_80, %max3A_77 : vector<640x640xf32>
      %max3A_86 = arith.constant 0.000000e+00 : f32
      %max3A_87 = vector.broadcast %max3A_86 : f32 to vector<640x640xf32>
      %max3A_88 = arith.maximumf %sub3A_85, %max3A_87 : vector<640x640xf32>
      %mul3A_89 = arith.mulf %max3A_84, %max3A_88 : vector<640x640xf32>
      %add3A_90 = vector.broadcast %mul3A_60 : vector<1x640xf32> to vector<640x640xf32>
      %add3A_91 = arith.addf %broadcast_in_dim3A_74, %add3A_90 : vector<640x640xf32>
      %sub3A_92 = arith.subf %add3A_91, %mul3A_89 : vector<640x640xf32>
      %add3A_93 = arith.constant 9.99999971E-10 : f32
      %add3A_94 = vector.broadcast %add3A_93 : f32 to vector<640x640xf32>
      %add3A_95 = arith.addf %sub3A_92, %add3A_94 : vector<640x640xf32>
      %div3A_96 = arith.divf %mul3A_89, %add3A_95 : vector<640x640xf32>
      %gt3A_97 = arith.constant 0.699999988 : f32
      %gt3A_98 = vector.broadcast %gt3A_97 : f32 to vector<640x640xf32>
      %gt3A_99 = arith.cmpf ogt, %div3A_96, %gt3A_98 : vector<640x640xf32>
      %iota3A = tpu.iota {dimensions = array<i32: 0>} : vector<640x640xi32>
      %iota3A_100 = tpu.iota {dimensions = array<i32: 1>} : vector<640x640xi32>
      %gt3A_101 = arith.cmpi sgt, %iota3A_100, %iota3A : vector<640x640xi32>
      %and3A = arith.andi %gt3A_99, %gt3A_101 : vector<640x640xi1>
      %jit3A = arith.constant 1.000000e+00 : f32
      %jit3A_102 = arith.constant 0.000000e+00 : f32
      %broadcast_in_dim3A_103 = vector.broadcast %jit3A : f32 to vector<640x640xf32>
      %broadcast_in_dim3A_104 = vector.broadcast %jit3A_102 : f32 to vector<640x640xf32>
      %select_n3A = arith.select %and3A, %broadcast_in_dim3A_103, %broadcast_in_dim3A_104 : vector<640x640xi1>, vector<640x640xf32>
      %get3A_105 = arith.index_cast %while3A_30 : i32 to index
      %get3A_106 = arith.constant 0 : index
      %get3A_107 = arith.constant 0 : index
      %get3A_108 = vector.load %arg0[%get3A_105, %get3A_106, %get3A_107] : memref<32x5x640xf32, #tpu.memory_space<vmem>>, vector<1x5x640xf32>
      %get3A_109 = vector.shape_cast %get3A_108 : vector<1x5x640xf32> to vector<5x640xf32>
      %slice3A_110 = vector.extract_strided_slice %get3A_109 {offsets = [4, 0], sizes = [1, 640], strides = [1, 1]} : vector<5x640xf32> to vector<1x640xf32>
      %gt3A_111 = arith.constant 5.000000e-01 : f32
      %gt3A_112 = vector.broadcast %gt3A_111 : f32 to vector<1x640xf32>
      %gt3A_113 = arith.cmpf ogt, %slice3A_110, %gt3A_112 : vector<1x640xf32>
      %get3A_114 = arith.index_cast %while3A_30 : i32 to index
      %get3A_115 = arith.constant 0 : index
      %get3A_116 = arith.constant 0 : index
      %get3A_117 = vector.load %arg2[%get3A_114, %get3A_115, %get3A_116] : memref<32x1x640xf32, #tpu.memory_space<vmem>>, vector<1x1x640xf32>
      %get3A_118 = vector.shape_cast %get3A_117 : vector<1x1x640xf32> to vector<1x640xf32>
      %eq3A = arith.constant 0.000000e+00 : f32
      %eq3A_119 = vector.broadcast %eq3A : f32 to vector<1x640xf32>
      %eq3A_120 = arith.cmpf oeq, %get3A_118, %eq3A_119 : vector<1x640xf32>
      %and3A_121 = arith.andi %gt3A_113, %eq3A_120 : vector<1x640xi1>
      %jit3A_122 = arith.constant 1.000000e+00 : f32
      %jit3A_123 = arith.constant 0.000000e+00 : f32
      %broadcast_in_dim3A_124 = vector.broadcast %jit3A_122 : f32 to vector<1x640xf32>
      %broadcast_in_dim3A_125 = vector.broadcast %jit3A_123 : f32 to vector<1x640xf32>
      %select_n3A_126 = arith.select %and3A_121, %broadcast_in_dim3A_124, %broadcast_in_dim3A_125 : vector<1x640xi1>, vector<1x640xf32>
      %dot_general3A = arith.constant dense<0.000000e+00> : vector<1x640xf32>
      %dot_general3A_127 = tpu.matmul %select_n3A_126, %select_n3A, %dot_general3A {dimension_numbers = #tpu.dot_dimension_numbers<[1], [0], [0], [1], [0, 0, 1, 1], [], []>, transpose_lhs_hint = false} : vector<1x640xf32>, vector<640x640xf32>, vector<1x640xf32> -> vector<1x640xf32>
      %gt3A_128 = arith.constant 0.000000e+00 : f32
      %gt3A_129 = vector.broadcast %gt3A_128 : f32 to vector<1x640xf32>
      %gt3A_130 = arith.cmpf ogt, %dot_general3A_127, %gt3A_129 : vector<1x640xf32>
      %jit3A_131 = arith.constant 0.000000e+00 : f32
      %jit3A_132 = arith.constant 1.000000e+00 : f32
      %broadcast_in_dim3A_133 = vector.broadcast %jit3A_131 : f32 to vector<1x640xf32>
      %broadcast_in_dim3A_134 = vector.broadcast %jit3A_132 : f32 to vector<1x640xf32>
      %select_n3A_135 = arith.select %gt3A_130, %broadcast_in_dim3A_133, %broadcast_in_dim3A_134 : vector<1x640xi1>, vector<1x640xf32>
      %mul3A_136 = arith.mulf %select_n3A_126, %select_n3A_135 : vector<1x640xf32>
      %while3A_137:2 = scf.while (%while3A_154 = %select_n3A_126, %while3A_155 = %mul3A_136) : (vector<1x640xf32>, vector<1x640xf32>) -> (vector<1x640xf32>, vector<1x640xf32>) {
        %ne3A = arith.cmpf one, %while3A_154, %while3A_155 : vector<1x640xf32>
        %reduce_or3A = arith.constant 1.000000e+00 : f32
        %reduce_or3A_156 = arith.constant 0.000000e+00 : f32
        %reduce_or3A_157 = vector.broadcast %reduce_or3A : f32 to vector<1x640xf32>
        %reduce_or3A_158 = vector.broadcast %reduce_or3A_156 : f32 to vector<1x640xf32>
        %reduce_or3A_159 = arith.select %ne3A, %reduce_or3A_157, %reduce_or3A_158 : vector<1x640xi1>, vector<1x640xf32>
        %reduce_or3A_160 = vector.shape_cast %reduce_or3A_159 : vector<1x640xf32> to vector<1x1x640xf32>
        %reduce_or3A_161 = arith.constant dense<0xFF800000> : vector<1xf32>
        %reduce_or3A_162 = vector.multi_reduction <maximumf>, %reduce_or3A_160, %reduce_or3A_161 [1, 2] : vector<1x1x640xf32> to vector<1xf32>
        %reduce_or3A_163 = vector.shape_cast %reduce_or3A_162 : vector<1xf32> to vector<1x1x1xf32>
        %reduce_or3A_164 = vector.extract %reduce_or3A_163[0, 0, 0] : f32 from vector<1x1x1xf32>
        %reduce_or3A_165 = arith.constant 0.000000e+00 : f32
        %reduce_or3A_166 = arith.cmpf ogt, %reduce_or3A_164, %reduce_or3A_165 : f32
        scf.condition(%reduce_or3A_166) %while3A_154, %while3A_155 : vector<1x640xf32>, vector<1x640xf32>
      } do {
      ^bb0(%while3A_154: vector<1x640xf32>, %while3A_155: vector<1x640xf32>):
        %dot_general3A_156 = arith.constant dense<0.000000e+00> : vector<1x640xf32>
        %dot_general3A_157 = tpu.matmul %while3A_155, %select_n3A, %dot_general3A_156 {dimension_numbers = #tpu.dot_dimension_numbers<[1], [0], [0], [1], [0, 0, 1, 1], [], []>, transpose_lhs_hint = false} : vector<1x640xf32>, vector<640x640xf32>, vector<1x640xf32> -> vector<1x640xf32>
        %gt3A_158 = arith.constant 0.000000e+00 : f32
        %gt3A_159 = vector.broadcast %gt3A_158 : f32 to vector<1x640xf32>
        %gt3A_160 = arith.cmpf ogt, %dot_general3A_157, %gt3A_159 : vector<1x640xf32>
        %jit3A_161 = arith.constant 0.000000e+00 : f32
        %jit3A_162 = arith.constant 1.000000e+00 : f32
        %broadcast_in_dim3A_163 = vector.broadcast %jit3A_161 : f32 to vector<1x640xf32>
        %broadcast_in_dim3A_164 = vector.broadcast %jit3A_162 : f32 to vector<1x640xf32>
        %select_n3A_165 = arith.select %gt3A_160, %broadcast_in_dim3A_163, %broadcast_in_dim3A_164 : vector<1x640xi1>, vector<1x640xf32>
        %mul3A_166 = arith.mulf %select_n3A_126, %select_n3A_165 : vector<1x640xf32>
        scf.yield %while3A_155, %mul3A_166 : vector<1x640xf32>, vector<1x640xf32>
      }
      %swap3A_138 = arith.index_cast %while3A_30 : i32 to index
      %swap3A_139 = arith.constant 0 : index
      %swap3A_140 = arith.constant 0 : index
      %swap3A_141 = vector.load %arg1[%swap3A_138, %swap3A_139, %swap3A_140] : memref<32x1x640xf32, #tpu.memory_space<vmem>>, vector<1x1x640xf32>
      %swap3A_142 = vector.shape_cast %swap3A_141 : vector<1x1x640xf32> to vector<1x640xf32>
      %swap3A_143 = vector.shape_cast %while3A_137#1 : vector<1x640xf32> to vector<1x1x640xf32>
      tpu.vector_store %arg1[%swap3A_138, %swap3A_139, %swap3A_140], %swap3A_143 {strides = array<i32>} : memref<32x1x640xf32, #tpu.memory_space<vmem>>, vector<1x1x640xf32>,
      %add3A_144 = arith.constant 1 : i32
      %add3A_145 = arith.addi %while3A_30, %add3A_144 : i32
      %while3A_146 = arith.subi %div3A_20, %add3A_145 : i32
      %while3A_147 = arith.addi %add3A_145, %while3A_146 : i32
      %while3A_148 = arith.constant 1 : i32
      %while3A_149 = arith.divsi %while3A_146, %while3A_148 : i32
      %while3A_150 = arith.muli %while3A_149, %while3A_148 : i32
      %while3A_151 = arith.addi %add3A_145, %while3A_150 : i32
      %while3A_152 = arith.constant 1 : i32
      scf.for %while3A_154 = %add3A_145 to %while3A_151 step %while3A_152  : i32 {
        %get3A_155 = arith.index_cast %while3A_154 : i32 to index
        %get3A_156 = arith.constant 0 : index
        %get3A_157 = arith.constant 0 : index
        %get3A_158 = vector.load %arg0[%get3A_155, %get3A_156, %get3A_157] : memref<32x5x640xf32, #tpu.memory_space<vmem>>, vector<1x5x640xf32>
        %get3A_159 = vector.shape_cast %get3A_158 : vector<1x5x640xf32> to vector<5x640xf32>
        %slice3A_160 = vector.extract_strided_slice %get3A_159 {offsets = [0, 0], sizes = [1, 640], strides = [1, 1]} : vector<5x640xf32> to vector<1x640xf32>
        %slice3A_161 = vector.extract_strided_slice %get3A_159 {offsets = [2, 0], sizes = [1, 640], strides = [1, 1]} : vector<5x640xf32> to vector<1x640xf32>
        %mul3A_162 = arith.constant 5.000000e-01 : f32
        %mul3A_163 = vector.broadcast %mul3A_162 : f32 to vector<1x640xf32>
        %mul3A_164 = arith.mulf %slice3A_161, %mul3A_163 : vector<1x640xf32>
        %sub3A_165 = arith.subf %slice3A_160, %mul3A_164 : vector<1x640xf32>
        %slice3A_166 = vector.extract_strided_slice %get3A_159 {offsets = [1, 0], sizes = [1, 640], strides = [1, 1]} : vector<5x640xf32> to vector<1x640xf32>
        %slice3A_167 = vector.extract_strided_slice %get3A_159 {offsets = [3, 0], sizes = [1, 640], strides = [1, 1]} : vector<5x640xf32> to vector<1x640xf32>
        %mul3A_168 = arith.constant 5.000000e-01 : f32
        %mul3A_169 = vector.broadcast %mul3A_168 : f32 to vector<1x640xf32>
        %mul3A_170 = arith.mulf %slice3A_167, %mul3A_169 : vector<1x640xf32>
        %sub3A_171 = arith.subf %slice3A_166, %mul3A_170 : vector<1x640xf32>
        %slice3A_172 = vector.extract_strided_slice %get3A_159 {offsets = [0, 0], sizes = [1, 640], strides = [1, 1]} : vector<5x640xf32> to vector<1x640xf32>
        %slice3A_173 = vector.extract_strided_slice %get3A_159 {offsets = [2, 0], sizes = [1, 640], strides = [1, 1]} : vector<5x640xf32> to vector<1x640xf32>
        %mul3A_174 = arith.constant 5.000000e-01 : f32
        %mul3A_175 = vector.broadcast %mul3A_174 : f32 to vector<1x640xf32>
        %mul3A_176 = arith.mulf %slice3A_173, %mul3A_175 : vector<1x640xf32>
        %add3A_177 = arith.addf %slice3A_172, %mul3A_176 : vector<1x640xf32>
        %slice3A_178 = vector.extract_strided_slice %get3A_159 {offsets = [1, 0], sizes = [1, 640], strides = [1, 1]} : vector<5x640xf32> to vector<1x640xf32>
        %slice3A_179 = vector.extract_strided_slice %get3A_159 {offsets = [3, 0], sizes = [1, 640], strides = [1, 1]} : vector<5x640xf32> to vector<1x640xf32>
        %mul3A_180 = arith.constant 5.000000e-01 : f32
        %mul3A_181 = vector.broadcast %mul3A_180 : f32 to vector<1x640xf32>
        %mul3A_182 = arith.mulf %slice3A_179, %mul3A_181 : vector<1x640xf32>
        %add3A_183 = arith.addf %slice3A_178, %mul3A_182 : vector<1x640xf32>
        %sub3A_184 = arith.subf %add3A_177, %sub3A_165 : vector<1x640xf32>
        %sub3A_185 = arith.subf %add3A_183, %sub3A_171 : vector<1x640xf32>
        %mul3A_186 = arith.mulf %sub3A_184, %sub3A_185 : vector<1x640xf32>
        %max3A_187 = vector.broadcast %sub3A_165 : vector<1x640xf32> to vector<640x640xf32>
        %max3A_188 = arith.maximumf %broadcast_in_dim3A_62, %max3A_187 : vector<640x640xf32>
        %max3A_189 = vector.broadcast %sub3A_171 : vector<1x640xf32> to vector<640x640xf32>
        %max3A_190 = arith.maximumf %broadcast_in_dim3A_65, %max3A_189 : vector<640x640xf32>
        %min3A_191 = vector.broadcast %add3A_177 : vector<1x640xf32> to vector<640x640xf32>
        %min3A_192 = arith.minimumf %broadcast_in_dim3A_68, %min3A_191 : vector<640x640xf32>
        %min3A_193 = vector.broadcast %add3A_183 : vector<1x640xf32> to vector<640x640xf32>
        %min3A_194 = arith.minimumf %broadcast_in_dim3A_71, %min3A_193 : vector<640x640xf32>
        %sub3A_195 = arith.subf %min3A_192, %max3A_188 : vector<640x640xf32>
        %max3A_196 = arith.constant 0.000000e+00 : f32
        %max3A_197 = vector.broadcast %max3A_196 : f32 to vector<640x640xf32>
        %max3A_198 = arith.maximumf %sub3A_195, %max3A_197 : vector<640x640xf32>
        %sub3A_199 = arith.subf %min3A_194, %max3A_190 : vector<640x640xf32>
        %max3A_200 = arith.constant 0.000000e+00 : f32
        %max3A_201 = vector.broadcast %max3A_200 : f32 to vector<640x640xf32>
        %max3A_202 = arith.maximumf %sub3A_199, %max3A_201 : vector<640x640xf32>
        %mul3A_203 = arith.mulf %max3A_198, %max3A_202 : vector<640x640xf32>
        %add3A_204 = vector.broadcast %mul3A_186 : vector<1x640xf32> to vector<640x640xf32>
        %add3A_205 = arith.addf %broadcast_in_dim3A_74, %add3A_204 : vector<640x640xf32>
        %sub3A_206 = arith.subf %add3A_205, %mul3A_203 : vector<640x640xf32>
        %add3A_207 = arith.constant 9.99999971E-10 : f32
        %add3A_208 = vector.broadcast %add3A_207 : f32 to vector<640x640xf32>
        %add3A_209 = arith.addf %sub3A_206, %add3A_208 : vector<640x640xf32>
        %div3A_210 = arith.divf %mul3A_203, %add3A_209 : vector<640x640xf32>
        %gt3A_211 = arith.constant 0.699999988 : f32
        %gt3A_212 = vector.broadcast %gt3A_211 : f32 to vector<640x640xf32>
        %gt3A_213 = arith.cmpf ogt, %div3A_210, %gt3A_212 : vector<640x640xf32>
        %jit3A_214 = arith.constant 1.000000e+00 : f32
        %jit3A_215 = arith.constant 0.000000e+00 : f32
        %broadcast_in_dim3A_216 = vector.broadcast %jit3A_214 : f32 to vector<640x640xf32>
        %broadcast_in_dim3A_217 = vector.broadcast %jit3A_215 : f32 to vector<640x640xf32>
        %select_n3A_218 = arith.select %gt3A_213, %broadcast_in_dim3A_216, %broadcast_in_dim3A_217 : vector<640x640xi1>, vector<640x640xf32>
        %dot_general3A_219 = arith.constant dense<0.000000e+00> : vector<1x640xf32>
        %dot_general3A_220 = tpu.matmul %while3A_137#1, %select_n3A_218, %dot_general3A_219 {dimension_numbers = #tpu.dot_dimension_numbers<[1], [0], [0], [1], [0, 0, 1, 1], [], []>, transpose_lhs_hint = false} : vector<1x640xf32>, vector<640x640xf32>, vector<1x640xf32> -> vector<1x640xf32>
        %get3A_221 = arith.index_cast %while3A_154 : i32 to index
        %get3A_222 = arith.constant 0 : index
        %get3A_223 = arith.constant 0 : index
        %get3A_224 = vector.load %arg2[%get3A_221, %get3A_222, %get3A_223] : memref<32x1x640xf32, #tpu.memory_space<vmem>>, vector<1x1x640xf32>
        %get3A_225 = vector.shape_cast %get3A_224 : vector<1x1x640xf32> to vector<1x640xf32>
        %gt3A_226 = arith.constant 0.000000e+00 : f32
        %gt3A_227 = vector.broadcast %gt3A_226 : f32 to vector<1x640xf32>
        %gt3A_228 = arith.cmpf ogt, %dot_general3A_220, %gt3A_227 : vector<1x640xf32>
        %jit3A_229 = arith.constant 1.000000e+00 : f32
        %jit3A_230 = arith.constant 0.000000e+00 : f32
        %broadcast_in_dim3A_231 = vector.broadcast %jit3A_229 : f32 to vector<1x640xf32>
        %broadcast_in_dim3A_232 = vector.broadcast %jit3A_230 : f32 to vector<1x640xf32>
        %select_n3A_233 = arith.select %gt3A_228, %broadcast_in_dim3A_231, %broadcast_in_dim3A_232 : vector<1x640xi1>, vector<1x640xf32>
        %max3A_234 = arith.maximumf %get3A_225, %select_n3A_233 : vector<1x640xf32>
        %swap3A_235 = arith.index_cast %while3A_154 : i32 to index
        %swap3A_236 = arith.constant 0 : index
        %swap3A_237 = arith.constant 0 : index
        %swap3A_238 = vector.load %arg2[%swap3A_235, %swap3A_236, %swap3A_237] : memref<32x1x640xf32, #tpu.memory_space<vmem>>, vector<1x1x640xf32>
        %swap3A_239 = vector.shape_cast %swap3A_238 : vector<1x1x640xf32> to vector<1x640xf32>
        %swap3A_240 = vector.shape_cast %max3A_234 : vector<1x640xf32> to vector<1x1x640xf32>
        tpu.vector_store %arg2[%swap3A_235, %swap3A_236, %swap3A_237], %swap3A_240 {strides = array<i32>} : memref<32x1x640xf32, #tpu.memory_space<vmem>>, vector<1x1x640xf32>,
      }
      %while3A_153 = arith.constant 1 : i32
      scf.for %while3A_154 = %while3A_151 to %while3A_147 step %while3A_153  : i32 {
        %get3A_155 = arith.index_cast %while3A_154 : i32 to index
        %get3A_156 = arith.constant 0 : index
        %get3A_157 = arith.constant 0 : index
        %get3A_158 = vector.load %arg0[%get3A_155, %get3A_156, %get3A_157] : memref<32x5x640xf32, #tpu.memory_space<vmem>>, vector<1x5x640xf32>
        %get3A_159 = vector.shape_cast %get3A_158 : vector<1x5x640xf32> to vector<5x640xf32>
        %slice3A_160 = vector.extract_strided_slice %get3A_159 {offsets = [0, 0], sizes = [1, 640], strides = [1, 1]} : vector<5x640xf32> to vector<1x640xf32>
        %slice3A_161 = vector.extract_strided_slice %get3A_159 {offsets = [2, 0], sizes = [1, 640], strides = [1, 1]} : vector<5x640xf32> to vector<1x640xf32>
        %mul3A_162 = arith.constant 5.000000e-01 : f32
        %mul3A_163 = vector.broadcast %mul3A_162 : f32 to vector<1x640xf32>
        %mul3A_164 = arith.mulf %slice3A_161, %mul3A_163 : vector<1x640xf32>
        %sub3A_165 = arith.subf %slice3A_160, %mul3A_164 : vector<1x640xf32>
        %slice3A_166 = vector.extract_strided_slice %get3A_159 {offsets = [1, 0], sizes = [1, 640], strides = [1, 1]} : vector<5x640xf32> to vector<1x640xf32>
        %slice3A_167 = vector.extract_strided_slice %get3A_159 {offsets = [3, 0], sizes = [1, 640], strides = [1, 1]} : vector<5x640xf32> to vector<1x640xf32>
        %mul3A_168 = arith.constant 5.000000e-01 : f32
        %mul3A_169 = vector.broadcast %mul3A_168 : f32 to vector<1x640xf32>
        %mul3A_170 = arith.mulf %slice3A_167, %mul3A_169 : vector<1x640xf32>
        %sub3A_171 = arith.subf %slice3A_166, %mul3A_170 : vector<1x640xf32>
        %slice3A_172 = vector.extract_strided_slice %get3A_159 {offsets = [0, 0], sizes = [1, 640], strides = [1, 1]} : vector<5x640xf32> to vector<1x640xf32>
        %slice3A_173 = vector.extract_strided_slice %get3A_159 {offsets = [2, 0], sizes = [1, 640], strides = [1, 1]} : vector<5x640xf32> to vector<1x640xf32>
        %mul3A_174 = arith.constant 5.000000e-01 : f32
        %mul3A_175 = vector.broadcast %mul3A_174 : f32 to vector<1x640xf32>
        %mul3A_176 = arith.mulf %slice3A_173, %mul3A_175 : vector<1x640xf32>
        %add3A_177 = arith.addf %slice3A_172, %mul3A_176 : vector<1x640xf32>
        %slice3A_178 = vector.extract_strided_slice %get3A_159 {offsets = [1, 0], sizes = [1, 640], strides = [1, 1]} : vector<5x640xf32> to vector<1x640xf32>
        %slice3A_179 = vector.extract_strided_slice %get3A_159 {offsets = [3, 0], sizes = [1, 640], strides = [1, 1]} : vector<5x640xf32> to vector<1x640xf32>
        %mul3A_180 = arith.constant 5.000000e-01 : f32
        %mul3A_181 = vector.broadcast %mul3A_180 : f32 to vector<1x640xf32>
        %mul3A_182 = arith.mulf %slice3A_179, %mul3A_181 : vector<1x640xf32>
        %add3A_183 = arith.addf %slice3A_178, %mul3A_182 : vector<1x640xf32>
        %sub3A_184 = arith.subf %add3A_177, %sub3A_165 : vector<1x640xf32>
        %sub3A_185 = arith.subf %add3A_183, %sub3A_171 : vector<1x640xf32>
        %mul3A_186 = arith.mulf %sub3A_184, %sub3A_185 : vector<1x640xf32>
        %max3A_187 = vector.broadcast %sub3A_165 : vector<1x640xf32> to vector<640x640xf32>
        %max3A_188 = arith.maximumf %broadcast_in_dim3A_62, %max3A_187 : vector<640x640xf32>
        %max3A_189 = vector.broadcast %sub3A_171 : vector<1x640xf32> to vector<640x640xf32>
        %max3A_190 = arith.maximumf %broadcast_in_dim3A_65, %max3A_189 : vector<640x640xf32>
        %min3A_191 = vector.broadcast %add3A_177 : vector<1x640xf32> to vector<640x640xf32>
        %min3A_192 = arith.minimumf %broadcast_in_dim3A_68, %min3A_191 : vector<640x640xf32>
        %min3A_193 = vector.broadcast %add3A_183 : vector<1x640xf32> to vector<640x640xf32>
        %min3A_194 = arith.minimumf %broadcast_in_dim3A_71, %min3A_193 : vector<640x640xf32>
        %sub3A_195 = arith.subf %min3A_192, %max3A_188 : vector<640x640xf32>
        %max3A_196 = arith.constant 0.000000e+00 : f32
        %max3A_197 = vector.broadcast %max3A_196 : f32 to vector<640x640xf32>
        %max3A_198 = arith.maximumf %sub3A_195, %max3A_197 : vector<640x640xf32>
        %sub3A_199 = arith.subf %min3A_194, %max3A_190 : vector<640x640xf32>
        %max3A_200 = arith.constant 0.000000e+00 : f32
        %max3A_201 = vector.broadcast %max3A_200 : f32 to vector<640x640xf32>
        %max3A_202 = arith.maximumf %sub3A_199, %max3A_201 : vector<640x640xf32>
        %mul3A_203 = arith.mulf %max3A_198, %max3A_202 : vector<640x640xf32>
        %add3A_204 = vector.broadcast %mul3A_186 : vector<1x640xf32> to vector<640x640xf32>
        %add3A_205 = arith.addf %broadcast_in_dim3A_74, %add3A_204 : vector<640x640xf32>
        %sub3A_206 = arith.subf %add3A_205, %mul3A_203 : vector<640x640xf32>
        %add3A_207 = arith.constant 9.99999971E-10 : f32
        %add3A_208 = vector.broadcast %add3A_207 : f32 to vector<640x640xf32>
        %add3A_209 = arith.addf %sub3A_206, %add3A_208 : vector<640x640xf32>
        %div3A_210 = arith.divf %mul3A_203, %add3A_209 : vector<640x640xf32>
        %gt3A_211 = arith.constant 0.699999988 : f32
        %gt3A_212 = vector.broadcast %gt3A_211 : f32 to vector<640x640xf32>
        %gt3A_213 = arith.cmpf ogt, %div3A_210, %gt3A_212 : vector<640x640xf32>
        %jit3A_214 = arith.constant 1.000000e+00 : f32
        %jit3A_215 = arith.constant 0.000000e+00 : f32
        %broadcast_in_dim3A_216 = vector.broadcast %jit3A_214 : f32 to vector<640x640xf32>
        %broadcast_in_dim3A_217 = vector.broadcast %jit3A_215 : f32 to vector<640x640xf32>
        %select_n3A_218 = arith.select %gt3A_213, %broadcast_in_dim3A_216, %broadcast_in_dim3A_217 : vector<640x640xi1>, vector<640x640xf32>
        %dot_general3A_219 = arith.constant dense<0.000000e+00> : vector<1x640xf32>
        %dot_general3A_220 = tpu.matmul %while3A_137#1, %select_n3A_218, %dot_general3A_219 {dimension_numbers = #tpu.dot_dimension_numbers<[1], [0], [0], [1], [0, 0, 1, 1], [], []>, transpose_lhs_hint = false} : vector<1x640xf32>, vector<640x640xf32>, vector<1x640xf32> -> vector<1x640xf32>
        %get3A_221 = arith.index_cast %while3A_154 : i32 to index
        %get3A_222 = arith.constant 0 : index
        %get3A_223 = arith.constant 0 : index
        %get3A_224 = vector.load %arg2[%get3A_221, %get3A_222, %get3A_223] : memref<32x1x640xf32, #tpu.memory_space<vmem>>, vector<1x1x640xf32>
        %get3A_225 = vector.shape_cast %get3A_224 : vector<1x1x640xf32> to vector<1x640xf32>
        %gt3A_226 = arith.constant 0.000000e+00 : f32
        %gt3A_227 = vector.broadcast %gt3A_226 : f32 to vector<1x640xf32>
        %gt3A_228 = arith.cmpf ogt, %dot_general3A_220, %gt3A_227 : vector<1x640xf32>
        %jit3A_229 = arith.constant 1.000000e+00 : f32
        %jit3A_230 = arith.constant 0.000000e+00 : f32
        %broadcast_in_dim3A_231 = vector.broadcast %jit3A_229 : f32 to vector<1x640xf32>
        %broadcast_in_dim3A_232 = vector.broadcast %jit3A_230 : f32 to vector<1x640xf32>
        %select_n3A_233 = arith.select %gt3A_228, %broadcast_in_dim3A_231, %broadcast_in_dim3A_232 : vector<1x640xi1>, vector<1x640xf32>
        %max3A_234 = arith.maximumf %get3A_225, %select_n3A_233 : vector<1x640xf32>
        %swap3A_235 = arith.index_cast %while3A_154 : i32 to index
        %swap3A_236 = arith.constant 0 : index
        %swap3A_237 = arith.constant 0 : index
        %swap3A_238 = vector.load %arg2[%swap3A_235, %swap3A_236, %swap3A_237] : memref<32x1x640xf32, #tpu.memory_space<vmem>>, vector<1x1x640xf32>
        %swap3A_239 = vector.shape_cast %swap3A_238 : vector<1x1x640xf32> to vector<1x640xf32>
        %swap3A_240 = vector.shape_cast %max3A_234 : vector<1x640xf32> to vector<1x1x640xf32>
        tpu.vector_store %arg2[%swap3A_235, %swap3A_236, %swap3A_237], %swap3A_240 {strides = array<i32>} : memref<32x1x640xf32, #tpu.memory_space<vmem>>, vector<1x1x640xf32>,
      }
    }
    return
  }
}

</mosaic_0001>

<sc_bundles>
// kernel: kernel.5.cloned.1.call-start
scs
__scs_entry_jumppad:
0x0: {  	(pc) =	sbr.rel $0x88, $3  }
0x1: {  	(tag) =	ssettag $0x0;
	lr =	simm.s32 $0x1  }
0x2: {  	[smem:$0x3F9F] =	sst lr;
	_ =	strace $0xD0000000  }
0x3: {  	_ = 	snop  }
0x4: {  	_ = 	snop  }
0x5: {  	_ = 	snop  }
0x6: {  	_ = 	snop  }
0x7: {  	_ = 	snop  }
__scs_overlays_trampoline_lowered:
0x8: {  	[smem:$0x3FAE] =	sst s0  }
0x9: {  	[smem:$0x3FAF] =	sst s1  }
0xa: {  	[smem:$0x3FB0] =	sst s2  }
0xb: {  	[smem:$0x3FB1] =	sst s3  }
0xc: {  	[smem:$0x3FB2] =	sst s4  }
0xd: {  	[smem:$0x3FB3] =	sst s5  }
0xe: {  	[smem:$0x3FB4] =	sst s6  }
0xf: {  	[smem:$0x3FB5] =	sst s7  }
0x10: {  	[smem:$0x3FB6] =	sst s8  }
0x11: {  	[smem:$0x3FB7] =	sst s9;
	s0 =	simm.s32 @!p0 $0x0  }
0x12: {  	s1 =	sld [smem:$0x3F9D];
	s0 =	simm.s32 @p0 $0x1  }
0x13: {  	[smem:$0x3FB8] =	sst s0;
	s0 =	simm.s32 @!p1 $0x0  }
0x14: {  	s2 =	sld [smem:$0x3F9C];
	s0 =	simm.s32 @p1 $0x1  }
0x15: {  	[smem:$0x3FB9] =	sst s0;
	s0 =	simm.s32 @!p2 $0x0  }
0x16: {  	s3 =	sld [smem:$0x3FDB];
	s0 =	simm.s32 @p2 $0x1  }
0x17: {  	s4 =	simm.s32 $0x1BF5;
	[smem:$0x3FBB] =	sst s0  }
0x18: {  	s0 =	sld [smem:$0x3F9E];
	_ =	swait.ge [sflag:s4], $0x0  }
0x19: {  	s7 =	sld [smem:$0x3F9F]  }
0x1a: {  	s8 =	sadd.s32 $0xFFFFE003, lr  }
0x1b: {  	s9 =	sadd.s32 $0xFFFFFEF7, lr;
	s5 =	simm.s32 $0xFFFFFFFF;
	p2 =	slt.u32 s8, $0xFFFFF086  }
0x1c: {  	p1 =	slt.u32 s9, $0xF7A;
	s5 =	simm.s32 @!p2 $0x0  }
0x1d: {  	s5 =	simm.s32 @p1 $0x1;
	p0 =	seq.s32 s7, s2  }
0x1e: {  	s7 =	smul.u32 @!p0 $0xF7A, s2;
	p2 =	seq.s32 @!p0 s5, $0x0  }
0x1f: {  	s9 =	smul.u32 $0xF7A, s1;
	s8 =	simm.s32 @!p0 $0x1BF5;
	p2 =	por !p2, p0  }
0x20: {  	[sflag:s8] =	ssyncset.s32 @!p0 $0xFFFFF086;
	s6 =	sadd.s32 @!p0 s3, s7;
	s7 =	simm.s32 @!p0 $0x108  }
0x21: {  	s3 =	sadd.s32 s3, s9;
	s6 =	sadd.s32 @!p0 $0x88, s6;
	s7 =	simm.s32 @p2 $0x1082  }
0x22: {  	[simem:s7], [sflag:s8] =	dma.local @!p0 [hbm:s6], $0xF7A  }
0x23: {  	s9 =	sor.u32 $0xD0000000, s2;
	s6 =	simm.s32 $0x108;
	_ =	swait.ge @!p0 [sflag:s8], $0x0  }
0x24: {  	s3 =	sadd.s32 $0x88, s3;
	s6 =	simm.s32 @!p1 $0x1082;
	[sflag:s4] =	ssyncset.s32 $0xFFFFF086  }
0x25: {  	[simem:s6], [sflag:s4] =	dma.local [hbm:s3], $0xF7A  }
0x26: {  	[smem:$0x3F9F] =	sst s1;
	(tag) =	ssettag s2;
	_ =	strace s9  }
0x27: {  	s1 =	sld [smem:$0x3FAF]  }
0x28: {  	s2 =	sld [smem:$0x3FB0]  }
0x29: {  	s4 =	sld [smem:$0x3FB2]  }
0x2a: {  	p0 =	seq.s32 s5, $0x0;
	s5 =	sld [smem:$0x3FB3]  }
0x2b: {  	s6 =	sld [smem:$0x3FB4]  }
0x2c: {  	s7 =	sld [smem:$0x3FB5]  }
0x2d: {  	s3 =	simm.s32 $0x108;
	s8 =	sld [smem:$0x3FB6]  }
0x2e: {  	s3 =	simm.s32 @!p0 $0x1082;
	s9 =	sld [smem:$0x3FB7]  }
0x2f: {  	lr =	sadd.s32 s0, s3;
	s0 =	sld [smem:$0x3FAE]  }
0x30: {  	s3 =	sld [smem:$0x3FB1]  }
0x31: {  	[smem:$0x3FBA] =	sst s10  }
0x32: {  	s10 =	sld [smem:$0x3FB8];
	_ =	sdelay $0x3  }
0x33: {  	p0 =	seq.s32 s10, $0x1;
	s10 =	sld [smem:$0x3FBA];
	_ =	sdelay $0x3  }
0x34: {  	[smem:$0x3FBA] =	sst s10  }
0x35: {  	s10 =	sld [smem:$0x3FB9];
	_ =	sdelay $0x3  }
0x36: {  	p1 =	seq.s32 s10, $0x1;
	s10 =	sld [smem:$0x3FBA];
	_ =	sdelay $0x3  }
0x37: {  	[smem:$0x3FBA] =	sst s10  }
0x38: {  	s10 =	sld [smem:$0x3FBB]  }
0x39: {  	_ = 	snop;
	(pc) =	sbr.ind lr, $3  }
0x3a: {  	_ = 	snop  }
0x3b: {  	_ = 	snop  }
0x3c: {  	p2 =	seq.s32 s10, $0x1;
	s10 =	sld [smem:$0x3FBA]  }
0x3d: {  	_ =	shalt  }
0x3e: {  	_ =	shalt  }
0x3f: {  	_ =	shalt  }
0x40: {  	_ =	shalt  }
0x41: {  	_ =	shalt  }
0x42: {  	_ =	shalt  }
0x43: {  	_ =	shalt  }
0x44: {  	_ =	shalt  }
0x45: {  	_ =	shalt  }
0x46: {  	_ =	shalt  }
0x47: {  	_ =	shalt  }
0x48: {  	_ =	shalt  }
0x49: {  	_ =	shalt  }
0x4a: {  	_ =	shalt  }
0x4b: {  	_ =	shalt  }
0x4c: {  	_ =	shalt  }
0x4d: {  	_ =	shalt  }
0x4e: {  	_ =	shalt  }
0x4f: {  	_ =	shalt  }
0x50: {  	_ =	shalt  }
0x51: {  	_ =	shalt  }
0x52: {  	_ =	shalt  }
0x53: {  	_ =	shalt  }
0x54: {  	_ =	shalt  }
0x55: {  	_ =	shalt  }
0x56: {  	_ =	shalt  }
0x57: {  	_ =	shalt  }
0x58: {  	_ =	shalt  }
0x59: {  	_ =	shalt  }
0x5a: {  	_ =	shalt  }
0x5b: {  	_ =	shalt  }
0x5c: {  	_ =	shalt  }
0x5d: {  	_ =	shalt  }
0x5e: {  	_ =	shalt  }
0x5f: {  	_ =	shalt  }
0x60: {  	_ =	shalt  }
0x61: {  	_ =	shalt  }
0x62: {  	_ =	shalt  }
0x63: {  	_ =	shalt  }
0x64: {  	_ =	shalt  }
0x65: {  	_ =	shalt  }
0x66: {  	_ =	shalt  }
0x67: {  	_ =	shalt  }
0x68: {  	_ =	shalt  }
0x69: {  	_ =	shalt  }
0x6a: {  	_ =	shalt  }
0x6b: {  	_ =	shalt  }
0x6c: {  	_ =	shalt  }
0x6d: {  	_ =	shalt  }
0x6e: {  	_ =	shalt  }
0x6f: {  	_ =	shalt  }
0x70: {  	_ =	shalt  }
0x71: {  	_ =	shalt  }
0x72: {  	_ =	shalt  }
0x73: {  	_ =	shalt  }
0x74: {  	_ =	shalt  }
0x75: {  	_ =	shalt  }
0x76: {  	_ =	shalt  }
0x77: {  	_ =	shalt  }
0x78: {  	_ =	shalt  }
0x79: {  	_ =	shalt  }
0x7a: {  	_ =	shalt  }
0x7b: {  	_ =	shalt  }
0x7c: {  	_ =	shalt  }
0x7d: {  	_ =	shalt  }
0x7e: {  	_ =	shalt  }
0x7f: {  	_ =	shalt  }
0x80: {  	_ =	shalt  }
0x81: {  	_ =	shalt  }
0x82: {  	_ =	shalt  }
0x83: {  	_ =	shalt  }
0x84: {  	_ =	shalt  }
0x85: {  	_ =	shalt  }
0x86: {  	_ =	shalt  }
0x87: {  	_ =	shalt  }
.Lfunc_end0:
.L_simem_size_0:
called_computation_lowered:
.L_overlay_start_0:
0x88: {  	s2 =	sld [smem:$0x3FD9]  }
0x89: {  	s3 =	sld [smem:$0x3FFE];
	_ =	sdelay $0x1  }
0x8a: {  	s1 =	srdreg.scid  }
0x8b: {  	s0 =	sand.u32 $0x1, s1  }
0x8c: {  	s17 =	sshll.u32 s0, $0xA;
	s2 =	sadd.s32 s3, s2  }
0x8d: {  	s2 =	sadd.s32 s2, s17  }
0x8e: {  	[smem:$0x3FC6] =	sst s2  }
0x8f: {  	_ = 	snop  }
0x90: {  	s2 =	sld [smem:$0x3FD0];
	(tm) =	ssettm $0x1  }
0x91: {  	s18 =	sld [smem:$0x3FFB];
	_ =	sdelay $0x3  }
0x92: {  	_ =	strace s18  }
0x93: {  	s3 =	sld [smem:$0x3FFC];
	_ =	sdelay $0x3  }
0x94: {  	_ =	strace s3  }
0x95: {  	s3 =	sld [smem:$0x3FFD];
	_ =	sdelay $0x3  }
0x96: {  	_ =	strace s3  }
0x97: {  	_ =	strace $0x8FFFFFFF  }
0x98: {  	s19 =	sld [smem:$0x3FDB];
	_ =	sdelay $0x1  }
0x99: {  	s4 =	simm.s32 $_scs_section_size  }
0x9a: {  	s5 =	simm.s32 $_size__tile_overlayer_lowered;
	s6 =	simm.s32 $_tile_overlayer_lowered  }
0x9b: {  	s22 =	simm.s32 $0x1BFF;
	s21 =	sshll.u32 s6, $0x1;
	s3 =	sadd.s32 s4, s19  }
0x9c: {  	s7 =	simm.s32 $0x0;
	s20 =	sshll.u32 s5, $0x1;
	s5 =	sadd.s32 s21, s3  }
0x9d: {  	[timem:s7], [sflag:s22] =	dma.local [hbm:s5], s20  }
0x9e: {  	_ =	swait.ge [sflag:s22], s20  }
0x9f: {  	s4 =	ssub.s32 $0x0, s20;
	[sflag:s22] =	ssyncset.done $0x0  }
0xa0: {  	[sflag:s22] =	ssyncadd.s32 s4;
	_ =	sdelay $0x1  }
0xa1: {  	s23 =	simm.s32 $0x1B8B  }
0xa2: {  	_ =	swait.ge [sflag:s23], $0x1  }
0xa3: {  	[sflag:s23] =	ssyncset.done $0x0  }
0xa4: {  	s25 =	simm.s32 $0x1B8E;
	s24 =	sld [smem:$0x3FFE];
	[sflag:s23] =	ssyncadd.s32 $0xFFFFFFFF  }
0xa5: {  	s26 =	simm.s32 $execute0_lowered;
	[smem:$0x3FD2] =	sst s25  }
0xa6: {  	s5 =	sshll.u32 s26, $0x1;
	_ =	strace $0x80000046;
	[dreg:$0x1] =	wrdreg $0xFFFFFFFF  }
0xa7: {  	s28 =	simm.s32 $_size_execute0_lowered;
	s3 =	sadd.s32 s3, s5;
	[dreg:$0x0] =	wrdreg $0x0  }
0xa8: {  	s5 =	sshll.u32 s28, $0x1;
	[dreg:$0x2] =	wrdreg s3  }
0xa9: {  	[dreg:$0x3] =	wrdreg s5  }
0xaa: {  	[dreg:$0x4] =	wrdreg $0xC0  }
0xab: {  	_ =	task [dreg:s7], $0x5FFFF  }
0xac: {  	[dreg:$0x1] =	wrdreg $0xFFFFFFFF  }
0xad: {  	[dreg:$0x0] =	wrdreg $0x60  }
0xae: {  	[dreg:$0x2] =	wrdreg s24  }
0xaf: {  	[dreg:$0x3] =	wrdreg s2  }
0xb0: {  	[dreg:$0x4] =	wrdreg $0x0  }
0xb1: {  	[dreg:$0x5] =	wrdreg $0x9  }
0xb2: {  	_ =	task.clear_ibuf [dreg:s7], $0x6FFFF;
	_ =	strace $0x90000046  }
0xb3: {  	s29 =	simm.s32 $0x9;
	_ =	strace $0x80000048  }
0xb4: {  	_ =	swait.ge [sflag:s29], $0x1  }
0xb5: {  	[sflag:s29] =	ssyncadd.s32 $0xFFFFFFFF  }
0xb6: {  	_ =	strace $0x90000048  }
0xb7: {  	_ =	sfence  }
0xb8: {  	s30 =	sld [smem:$0x0];
	_ =	sdelay $0x2  }
0xb9: {  	s31 =	sshll.u32 s1, $0xD;
	s1 =	sshrl.u32 s1, $0x2  }
0xba: {  	s3 =	sand.u32 $0x4000, s31;
	s1 =	sadd.s32 s1, s30  }
0xbb: {  	s0 =	sor.u32 s3, s0;
	s1 =	sshll.u32 s1, $0x11  }
0xbc: {  	s0 =	sor.u32 s1, s0  }
0xbd: {  	s0 =	sadd.s32 $0x8F2B, s0  }
0xbe: {  	[sflag:s0] =	ssyncadd.remote.s32 $0x1  }
0xbf: {  	_ =	sfence.sel $0xFFFF  }
0xc0: {  	[dreg:$0x0] =	wrdreg $0xFFFFFFFF;
	(pc) =	sbr.abs _section_cstart, $3  }
0xc1: {  	[dreg:$0x1] =	wrdreg $0xFFFFFFFF  }
0xc2: {  	_ =	task.clear_ibuf [dreg:s7], $0x2FFFF;
	_ =	strace $0x9FFFFFFF  }
0xc3: {  	(tm) =	ssettm $0x7FFFFFFF  }
tec
execute0_lowered:
.L_overlay_start_1:
0x0: {  	(tag) =	ssettag $0x1  }
0x1: {  	s0 =	rddreg [dreg:$0x0]  }
0x2: {  	s5 =	rddreg [dreg:$0x1]  }
0x3: {  	s1 =	srdreg.scid;
	s7 =	stileid.u32  }
0x4: {  	s2 =	rddreg [dreg:$0x2];
	s3 =	simm.s32 $0x0;
	s12 =	simm.s32 $0x0  }
0x5: {  	s6 =	sand.u32 $0x1, s1;
	s4 =	sshll.u32 s7, $0x1;
	s11 =	smul.u32 $0x500, s7  }
0x6: {  	s1 =	rddreg [dreg:$0x3];
	s4 =	sor.u32 s6, s4;
	s31 =	smul.u32 $0x280, s6  }
0x7: {  	[smem:$0x7FF] =	sst s3;
	p0 =	sne.s32 s7, $0x0;
	s8 =	smul.u32 $0x280, s4  }
0x8: {  	_ =	strace $0x80000047;
	s9 =	ssub.s32 $0x2, s6;
	s10 =	smul.u32 $0x190, s4  }
0x9: {  	s30 =	sshrl.u32 s9, $0x1;
	s7 =	sadd.s32 s31, s11;
	s11 =	simm.s32 $0x1A1F0  }
0xa: {  	s8 =	sshrl.u32 s8, $0x3;
	s5 =	sadd.s32 s5, s10;
	s10 =	simm.s32 $0x1  }
0xb: {  	s29 =	sadd.s32 s8, s0;
	s8 =	ssub.s32 s9, s30;
	s9 =	simm.s32 $0x1870  }
0xc: {  	s4 =	sadd.s32 $0x3200, s29;
	s6 =	smax.u32 s8, $0x1;
	s8 =	sshrl.u32 @!p0 s2, $0x3  }
.LBB2_1:
0xd: {  	s13 =	simm.s32 @!p0 $0x1C01  }
0xe: {  	[spmem:s8], [sflag:s13] =	dma.local @!p0 [hbm:s0], $0x30E0  }
0xf: {  	s13 =	simm.s32 @!p0 $0x1  }
0x10: {  	_ =	swait.ge @!p0 [sflag:s13], $0x30E0  }
0x11: {  	[sflag:s13] =	ssyncset.done @!p0 $0x0  }
0x12: {  	[sflag:s13] =	ssyncadd.s32 @!p0 $0xFFFFCF20  }
0x13: {  	[bflag:$0x0] =	sbarrier.arrive $0xFFFF  }
0x14: {  	[tilespmem:s9], [sflag:$0x1] =	stream.linear.gather [spmem:s2], $0x18700, $0x38;
	[tilespmem:$0x1AE70] =	vst v63  }
0x15: {  	_ =	swait.ge [sflag:s10], $0x18700  }
0x16: {  	[sflag:s10] =	ssyncset.done $0x0  }
0x17: {  	s13 =	simm.s32 $0x19F70;
	[sflag:s10] =	ssyncadd.s32 $0xFFFE7900  }
0x18: {  	[tilespmem:s13], [sflag:$0x1] =	stream.linear.gather [hbm4b:s4+s3], $0x280, $0x38;
	[tilespmem:$0x1AE70] =	vst v63  }
0x19: {  	_ =	swait.ge [sflag:s10], $0x280  }
0x1a: {  	[sflag:s10] =	ssyncset.done $0x0  }
0x1b: {  	[sflag:s10] =	ssyncadd.s32 $0xFFFFFD80  }
0x1c: {  	v0 =	vld [tilespmem:s13+$0x0];
	_ =	sdelay $0x4  }
0x1d: {  	vm0 =	vlt.s32 v0, $0x4E1F  }
0x1e: {  	v0 =	vnsel vm0, $0x4E1F, v0;
	_ =	sdelay $0x4  }
0x1f: {  	v1 =	vld.idx.msk [tilespmem:v0+s9+$0x0], $0xffff  }
0x20: {  	v2 =	vadd.s32 $0x4E20, v0;
	_ =	sdelay $0x3  }
0x21: {  	[tilespmem:s11+$0x0] =	vst v1  }
0x22: {  	v1 =	vld.idx.msk [tilespmem:v2+s9+$0x0], $0xffff  }
0x23: {  	v2 =	vadd.s32 $0x9C40, v0;
	_ =	sdelay $0x2  }
0x24: {  	s16 =	sand.u32 $0x3F0, s3  }
0x25: {  	[tilespmem:s16+$0x1A470] =	vst v1  }
0x26: {  	v1 =	vld.idx.msk [tilespmem:v2+s9+$0x0], $0xffff  }
0x27: {  	v2 =	vadd.s32 $0xEA60, v0;
	_ =	sdelay $0x3  }
0x28: {  	[tilespmem:s16+$0x1A6F0] =	vst v1  }
0x29: {  	v1 =	vld.idx.msk [tilespmem:v2+s9+$0x0], $0xffff  }
0x2a: {  	v0 =	vadd.s32 $0x13880, v0;
	_ =	sdelay $0x3  }
0x2b: {  	[tilespmem:s16+$0x1A970] =	vst v1  }
0x2c: {  	v0 =	vld.idx.msk [tilespmem:v0+s9+$0x0], $0xffff;
	_ =	sdelay $0x2  }
0x2d: {  	s14 =	sadd.s32 $0x0, s7  }
0x2e: {  	p1 =	slt.u32 s14, $0x4E20  }
0x2f: {  	s15 =	simm.s32 $0x1A1F0;
	s14 =	simm.s32 $0x10;
	v0 =	vpsel !p1, $0xBF800000, v0  }
.LBB2_2:
0x30: {  	p1 =	sne.s32 s14, $0x270;
	[tilespmem:s16+$0x1ABF0] =	vst v0;
	s13 =	sadd.s32 $0x10, s13;
	s15 =	sadd.s32 $0x10, s15  }
0x31: {  	s17 =	smov.u32 s14;
	s14 =	sadd.s32 $0x10, s14;
	v0 =	vld [tilespmem:s13+$0x0];
	_ =	sdelay $0x4  }
0x32: {  	vm0 =	vlt.s32 v0, $0x4E1F  }
0x33: {  	v0 =	vnsel vm0, $0x4E1F, v0;
	_ =	sdelay $0x4  }
0x34: {  	v1 =	vld.idx.msk [tilespmem:v0+s9+$0x0], $0xffff;
	_ =	sdelay $0x1  }
0x35: {  	v2 =	vadd.s32 $0x4E20, v0;
	_ =	sdelay $0x3  }
0x36: {  	[tilespmem:s15+$0x0] =	vst v1  }
0x37: {  	v1 =	vld.idx.msk [tilespmem:v2+s9+$0x0], $0xffff;
	_ =	sdelay $0x1  }
0x38: {  	v2 =	vadd.s32 $0x9C40, v0;
	_ =	sdelay $0x2  }
0x39: {  	s16 =	sand.u32 $0x3F0, s17  }
0x3a: {  	[tilespmem:s16+$0x1A470] =	vst v1  }
0x3b: {  	v1 =	vld.idx.msk [tilespmem:v2+s9+$0x0], $0xffff;
	_ =	sdelay $0x1  }
0x3c: {  	v2 =	vadd.s32 $0xEA60, v0;
	_ =	sdelay $0x3  }
0x3d: {  	[tilespmem:s16+$0x1A6F0] =	vst v1  }
0x3e: {  	v1 =	vld.idx.msk [tilespmem:v2+s9+$0x0], $0xffff;
	_ =	sdelay $0x1  }
0x3f: {  	v0 =	vadd.s32 $0x13880, v0;
	_ =	sdelay $0x3  }
0x40: {  	[tilespmem:s16+$0x1A970] =	vst v1  }
0x41: {  	v0 =	vld.idx.msk [tilespmem:v0+s9+$0x0], $0xffff;
	_ =	sdelay $0x1  }
.Ltmp0:
0x42: {  	(pc) =	sbr.rel @p1 .LBB2_2-.Ltmp0, $4  }
0x43: {  	_ = 	snop  }
0x44: {  	s17 =	sadd.s32 s17, s7  }
0x45: {  	p2 =	slt.u32 s17, $0x4E20  }
0x46: {  	v0 =	vpsel !p2, $0xBF800000, v0  }
0x47: {  	s12 =	sadd.s32 $0x1, s12  }
0x48: {  	p1 =	sne.s32 s12, s6  }
.Ltmp1:
0x49: {  	[tilespmem:s16+$0x1ABF0] =	vst v0;
	(pc) =	sbr.rel @p1 .LBB2_1-.Ltmp1, $4  }
0x4a: {  	[hbm4b:s5+s3] =	stream.linear.scatter [tilespmem:s11], [sflag:$0x1], $0xC80, $0x38;
	[tilespmem:$0x1AE70] =	vst v63  }
0x4b: {  	_ =	swait.ge [sflag:s10], $0xC80  }
0x4c: {  	[sflag:s10] =	ssyncset.done $0x0  }
0x4d: {  	[sflag:s10] =	ssyncadd.s32 $0xFFFFF380  }
0x4e: {  	_ =	sfence.sel $0x180000  }
0x4f: {  	[bflag:$0x0] =	sbarrier.arrive $0xFFFF  }
0x50: {  	_ =	strace $0x90000047  }
0x51: {  	s0 =	sadd.s32 @!p0 $0x100000, s1;
	[bflag:$0x2] =	sbarrier.arrive $0xFFFF  }
0x52: {  	[sflag:s0] =	ssyncadd.tile.s32 @!p0 $0x1;
	_ =	shalt  }
.Lfunc_end2:
_tile_overlayer_lowered:
.L_overlay_start_2:
0x53: {  	(tag) =	ssettag $0x2  }
0x54: {  	s0 =	rddreg [dreg:$0x0];
	s2 =	stileid.u32  }
0x55: {  	s1 =	rddreg [dreg:$0x1];
	p0 =	sne.s32 s2, $0x0  }
0x56: {  	s3 =	rddreg [dreg:$0x2];
	[bflag:$0x3] =	sbarrier.arrive $0xFFFF;
	s2 =	simm.s32 @!p0 $0x1C01  }
0x57: {  	[timem:s3], [sflag:s2] =	dma.local @!p0 [hbm:s0], s1  }
0x58: {  	s0 =	simm.s32 @!p0 $0x1  }
0x59: {  	_ =	swait.ge @!p0 [sflag:s0], s1  }
0x5a: {  	s1 =	ssub.s32 @!p0 $0x0, s1;
	[sflag:s0] =	ssyncset.done @!p0 $0x0  }
0x5b: {  	[sflag:s0] =	ssyncadd.s32 @!p0 s1  }
0x5c: {  	[bflag:$0x3] =	sbarrier.arrive $0xFFFF  }
0x5d: {  	_ =	shalt  }

// kernel: kernel.8.cloned.1.call-start
scs
__scs_entry_jumppad:
0x0: {  	(pc) =	sbr.rel $0x88, $3  }
0x1: {  	(tag) =	ssettag $0x0;
	lr =	simm.s32 $0x1  }
0x2: {  	[smem:$0x3F9F] =	sst lr;
	_ =	strace $0xD0000000  }
0x3: {  	_ = 	snop  }
0x4: {  	_ = 	snop  }
0x5: {  	_ = 	snop  }
0x6: {  	_ = 	snop  }
0x7: {  	_ = 	snop  }
__scs_overlays_trampoline_lowered:
0x8: {  	[smem:$0x3FAE] =	sst s0  }
0x9: {  	[smem:$0x3FAF] =	sst s1  }
0xa: {  	[smem:$0x3FB0] =	sst s2  }
0xb: {  	[smem:$0x3FB1] =	sst s3  }
0xc: {  	[smem:$0x3FB2] =	sst s4  }
0xd: {  	[smem:$0x3FB3] =	sst s5  }
0xe: {  	[smem:$0x3FB4] =	sst s6  }
0xf: {  	[smem:$0x3FB5] =	sst s7  }
0x10: {  	[smem:$0x3FB6] =	sst s8  }
0x11: {  	[smem:$0x3FB7] =	sst s9;
	s0 =	simm.s32 @!p0 $0x0  }
0x12: {  	s1 =	sld [smem:$0x3F9D];
	s0 =	simm.s32 @p0 $0x1  }
0x13: {  	[smem:$0x3FB8] =	sst s0;
	s0 =	simm.s32 @!p1 $0x0  }
0x14: {  	s2 =	sld [smem:$0x3F9C];
	s0 =	simm.s32 @p1 $0x1  }
0x15: {  	[smem:$0x3FB9] =	sst s0;
	s0 =	simm.s32 @!p2 $0x0  }
0x16: {  	s3 =	sld [smem:$0x3FDB];
	s0 =	simm.s32 @p2 $0x1  }
0x17: {  	s4 =	simm.s32 $0x1BF5;
	[smem:$0x3FBB] =	sst s0  }
0x18: {  	s0 =	sld [smem:$0x3F9E];
	_ =	swait.ge [sflag:s4], $0x0  }
0x19: {  	s7 =	sld [smem:$0x3F9F]  }
0x1a: {  	s8 =	sadd.s32 $0xFFFFE003, lr  }
0x1b: {  	s9 =	sadd.s32 $0xFFFFFEF7, lr;
	s5 =	simm.s32 $0xFFFFFFFF;
	p2 =	slt.u32 s8, $0xFFFFF086  }
0x1c: {  	p1 =	slt.u32 s9, $0xF7A;
	s5 =	simm.s32 @!p2 $0x0  }
0x1d: {  	s5 =	simm.s32 @p1 $0x1;
	p0 =	seq.s32 s7, s2  }
0x1e: {  	s7 =	smul.u32 @!p0 $0xF7A, s2;
	p2 =	seq.s32 @!p0 s5, $0x0  }
0x1f: {  	s9 =	smul.u32 $0xF7A, s1;
	s8 =	simm.s32 @!p0 $0x1BF5;
	p2 =	por !p2, p0  }
0x20: {  	[sflag:s8] =	ssyncset.s32 @!p0 $0xFFFFF086;
	s6 =	sadd.s32 @!p0 s3, s7;
	s7 =	simm.s32 @!p0 $0x108  }
0x21: {  	s3 =	sadd.s32 s3, s9;
	s6 =	sadd.s32 @!p0 $0x88, s6;
	s7 =	simm.s32 @p2 $0x1082  }
0x22: {  	[simem:s7], [sflag:s8] =	dma.local @!p0 [hbm:s6], $0xF7A  }
0x23: {  	s9 =	sor.u32 $0xD0000000, s2;
	s6 =	simm.s32 $0x108;
	_ =	swait.ge @!p0 [sflag:s8], $0x0  }
0x24: {  	s3 =	sadd.s32 $0x88, s3;
	s6 =	simm.s32 @!p1 $0x1082;
	[sflag:s4] =	ssyncset.s32 $0xFFFFF086  }
0x25: {  	[simem:s6], [sflag:s4] =	dma.local [hbm:s3], $0xF7A  }
0x26: {  	[smem:$0x3F9F] =	sst s1;
	(tag) =	ssettag s2;
	_ =	strace s9  }
0x27: {  	s1 =	sld [smem:$0x3FAF]  }
0x28: {  	s2 =	sld [smem:$0x3FB0]  }
0x29: {  	s4 =	sld [smem:$0x3FB2]  }
0x2a: {  	p0 =	seq.s32 s5, $0x0;
	s5 =	sld [smem:$0x3FB3]  }
0x2b: {  	s6 =	sld [smem:$0x3FB4]  }
0x2c: {  	s7 =	sld [smem:$0x3FB5]  }
0x2d: {  	s3 =	simm.s32 $0x108;
	s8 =	sld [smem:$0x3FB6]  }
0x2e: {  	s3 =	simm.s32 @!p0 $0x1082;
	s9 =	sld [smem:$0x3FB7]  }
0x2f: {  	lr =	sadd.s32 s0, s3;
	s0 =	sld [smem:$0x3FAE]  }
0x30: {  	s3 =	sld [smem:$0x3FB1]  }
0x31: {  	[smem:$0x3FBA] =	sst s10  }
0x32: {  	s10 =	sld [smem:$0x3FB8];
	_ =	sdelay $0x3  }
0x33: {  	p0 =	seq.s32 s10, $0x1;
	s10 =	sld [smem:$0x3FBA];
	_ =	sdelay $0x3  }
0x34: {  	[smem:$0x3FBA] =	sst s10  }
0x35: {  	s10 =	sld [smem:$0x3FB9];
	_ =	sdelay $0x3  }
0x36: {  	p1 =	seq.s32 s10, $0x1;
	s10 =	sld [smem:$0x3FBA];
	_ =	sdelay $0x3  }
0x37: {  	[smem:$0x3FBA] =	sst s10  }
0x38: {  	s10 =	sld [smem:$0x3FBB]  }
0x39: {  	_ = 	snop;
	(pc) =	sbr.ind lr, $3  }
0x3a: {  	_ = 	snop  }
0x3b: {  	_ = 	snop  }
0x3c: {  	p2 =	seq.s32 s10, $0x1;
	s10 =	sld [smem:$0x3FBA]  }
0x3d: {  	_ =	shalt  }
0x3e: {  	_ =	shalt  }
0x3f: {  	_ =	shalt  }
0x40: {  	_ =	shalt  }
0x41: {  	_ =	shalt  }
0x42: {  	_ =	shalt  }
0x43: {  	_ =	shalt  }
0x44: {  	_ =	shalt  }
0x45: {  	_ =	shalt  }
0x46: {  	_ =	shalt  }
0x47: {  	_ =	shalt  }
0x48: {  	_ =	shalt  }
0x49: {  	_ =	shalt  }
0x4a: {  	_ =	shalt  }
0x4b: {  	_ =	shalt  }
0x4c: {  	_ =	shalt  }
0x4d: {  	_ =	shalt  }
0x4e: {  	_ =	shalt  }
0x4f: {  	_ =	shalt  }
0x50: {  	_ =	shalt  }
0x51: {  	_ =	shalt  }
0x52: {  	_ =	shalt  }
0x53: {  	_ =	shalt  }
0x54: {  	_ =	shalt  }
0x55: {  	_ =	shalt  }
0x56: {  	_ =	shalt  }
0x57: {  	_ =	shalt  }
0x58: {  	_ =	shalt  }
0x59: {  	_ =	shalt  }
0x5a: {  	_ =	shalt  }
0x5b: {  	_ =	shalt  }
0x5c: {  	_ =	shalt  }
0x5d: {  	_ =	shalt  }
0x5e: {  	_ =	shalt  }
0x5f: {  	_ =	shalt  }
0x60: {  	_ =	shalt  }
0x61: {  	_ =	shalt  }
0x62: {  	_ =	shalt  }
0x63: {  	_ =	shalt  }
0x64: {  	_ =	shalt  }
0x65: {  	_ =	shalt  }
0x66: {  	_ =	shalt  }
0x67: {  	_ =	shalt  }
0x68: {  	_ =	shalt  }
0x69: {  	_ =	shalt  }
0x6a: {  	_ =	shalt  }
0x6b: {  	_ =	shalt  }
0x6c: {  	_ =	shalt  }
0x6d: {  	_ =	shalt  }
0x6e: {  	_ =	shalt  }
0x6f: {  	_ =	shalt  }
0x70: {  	_ =	shalt  }
0x71: {  	_ =	shalt  }
0x72: {  	_ =	shalt  }
0x73: {  	_ =	shalt  }
0x74: {  	_ =	shalt  }
0x75: {  	_ =	shalt  }
0x76: {  	_ =	shalt  }
0x77: {  	_ =	shalt  }
0x78: {  	_ =	shalt  }
0x79: {  	_ =	shalt  }
0x7a: {  	_ =	shalt  }
0x7b: {  	_ =	shalt  }
0x7c: {  	_ =	shalt  }
0x7d: {  	_ =	shalt  }
0x7e: {  	_ =	shalt  }
0x7f: {  	_ =	shalt  }
0x80: {  	_ =	shalt  }
0x81: {  	_ =	shalt  }
0x82: {  	_ =	shalt  }
0x83: {  	_ =	shalt  }
0x84: {  	_ =	shalt  }
0x85: {  	_ =	shalt  }
0x86: {  	_ =	shalt  }
0x87: {  	_ =	shalt  }
.Lfunc_end0:
.L_simem_size_0:
called_computation.1_lowered:
.L_overlay_start_0:
0x88: {  	s2 =	sld [smem:$0x3FD9]  }
0x89: {  	s3 =	sld [smem:$0x3FFE];
	_ =	sdelay $0x1  }
0x8a: {  	s1 =	srdreg.scid  }
0x8b: {  	s0 =	sand.u32 $0x1, s1  }
0x8c: {  	s17 =	sshll.u32 s0, $0xA;
	s2 =	sadd.s32 s3, s2  }
0x8d: {  	s2 =	sadd.s32 s2, s17  }
0x8e: {  	[smem:$0x3FC6] =	sst s2  }
0x8f: {  	_ = 	snop  }
0x90: {  	s2 =	sld [smem:$0x3FD0];
	(tm) =	ssettm $0x1  }
0x91: {  	s18 =	sld [smem:$0x3FFB];
	_ =	sdelay $0x3  }
0x92: {  	_ =	strace s18  }
0x93: {  	s3 =	sld [smem:$0x3FFC];
	_ =	sdelay $0x3  }
0x94: {  	_ =	strace s3  }
0x95: {  	s3 =	sld [smem:$0x3FFD];
	_ =	sdelay $0x3  }
0x96: {  	_ =	strace s3  }
0x97: {  	_ =	strace $0x8FFFFFFF  }
0x98: {  	s19 =	sld [smem:$0x3FDB];
	_ =	sdelay $0x1  }
0x99: {  	s4 =	simm.s32 $_scs_section_size  }
0x9a: {  	s5 =	simm.s32 $_size__tile_overlayer_lowered;
	s6 =	simm.s32 $_tile_overlayer_lowered  }
0x9b: {  	s22 =	simm.s32 $0x1BFF;
	s21 =	sshll.u32 s6, $0x1;
	s3 =	sadd.s32 s4, s19  }
0x9c: {  	s7 =	simm.s32 $0x0;
	s20 =	sshll.u32 s5, $0x1;
	s5 =	sadd.s32 s21, s3  }
0x9d: {  	[timem:s7], [sflag:s22] =	dma.local [hbm:s5], s20  }
0x9e: {  	_ =	swait.ge [sflag:s22], s20  }
0x9f: {  	s4 =	ssub.s32 $0x0, s20;
	[sflag:s22] =	ssyncset.done $0x0  }
0xa0: {  	[sflag:s22] =	ssyncadd.s32 s4;
	_ =	sdelay $0x1  }
0xa1: {  	s23 =	simm.s32 $0x1B8B  }
0xa2: {  	_ =	swait.ge [sflag:s23], $0x1  }
0xa3: {  	[sflag:s23] =	ssyncset.done $0x0  }
0xa4: {  	s25 =	simm.s32 $0x1B8E;
	s24 =	sld [smem:$0x3FFE];
	[sflag:s23] =	ssyncadd.s32 $0xFFFFFFFF  }
0xa5: {  	s26 =	simm.s32 $execute0_lowered;
	[smem:$0x3FD2] =	sst s25  }
0xa6: {  	s5 =	sshll.u32 s26, $0x1;
	_ =	strace $0x80000049;
	[dreg:$0x1] =	wrdreg $0xFFFFFFFF  }
0xa7: {  	s28 =	simm.s32 $_size_execute0_lowered;
	s3 =	sadd.s32 s3, s5;
	[dreg:$0x0] =	wrdreg $0x0  }
0xa8: {  	s5 =	sshll.u32 s28, $0x1;
	[dreg:$0x2] =	wrdreg s3  }
0xa9: {  	[dreg:$0x3] =	wrdreg s5  }
0xaa: {  	[dreg:$0x4] =	wrdreg $0xC0  }
0xab: {  	_ =	task [dreg:s7], $0x5FFFF  }
0xac: {  	[dreg:$0x1] =	wrdreg $0xFFFFFFFF  }
0xad: {  	[dreg:$0x0] =	wrdreg $0x60  }
0xae: {  	[dreg:$0x2] =	wrdreg s2  }
0xaf: {  	[dreg:$0x3] =	wrdreg s24  }
0xb0: {  	[dreg:$0x4] =	wrdreg $0x9  }
0xb1: {  	_ =	task.clear_ibuf [dreg:s7], $0x5FFFF;
	_ =	strace $0x90000049  }
0xb2: {  	s29 =	simm.s32 $0x9;
	_ =	strace $0x8000004B  }
0xb3: {  	_ =	swait.ge [sflag:s29], $0x1  }
0xb4: {  	[sflag:s29] =	ssyncadd.s32 $0xFFFFFFFF  }
0xb5: {  	_ =	strace $0x9000004B  }
0xb6: {  	_ =	sfence  }
0xb7: {  	s30 =	sld [smem:$0x0];
	_ =	sdelay $0x2  }
0xb8: {  	s31 =	sshll.u32 s1, $0xD;
	s1 =	sshrl.u32 s1, $0x2  }
0xb9: {  	s3 =	sand.u32 $0x4000, s31;
	s1 =	sadd.s32 s1, s30  }
0xba: {  	s0 =	sor.u32 s3, s0;
	s1 =	sshll.u32 s1, $0x11  }
0xbb: {  	s0 =	sor.u32 s1, s0  }
0xbc: {  	s0 =	sadd.s32 $0x8F2B, s0  }
0xbd: {  	[sflag:s0] =	ssyncadd.remote.s32 $0x1  }
0xbe: {  	_ =	sfence.sel $0xFFFF  }
0xbf: {  	[dreg:$0x0] =	wrdreg $0xFFFFFFFF;
	(pc) =	sbr.abs _section_cstart, $3  }
0xc0: {  	[dreg:$0x1] =	wrdreg $0xFFFFFFFF  }
0xc1: {  	_ =	task.clear_ibuf [dreg:s7], $0x2FFFF;
	_ =	strace $0x9FFFFFFF  }
0xc2: {  	(tm) =	ssettm $0x7FFFFFFF  }
0xc3: {  	_ =	shalt  }
tec
execute0_lowered:
.L_overlay_start_1:
0x0: {  	(tag) =	ssettag $0x1  }
0x1: {  	s1 =	srdreg.scid;
	s0 =	stileid.u32  }
0x2: {  	s25 =	sand.u32 $0x1, s1;
	s31 =	sshll.u32 s0, $0x1  }
0x3: {  	s4 =	sor.u32 s25, s31  }
0x4: {  	s20 =	rddreg [dreg:$0x0];
	s4 =	smul.u32 $0x280, s4  }
0x5: {  	s2 =	rddreg [dreg:$0x1];
	s3 =	simm.s32 $0x0;
	s5 =	simm.s32 $0x400  }
0x6: {  	s6 =	simm.s32 $0x2;
	[smem:$0x7FF] =	sst s3;
	s21 =	sshrl.u32 s4, $0x3  }
0x7: {  	s1 =	rddreg [dreg:$0x2];
	_ =	strace $0x8000004A;
	s4 =	sadd.s32 s20, s21  }
0x8: {  	[tilespmem:s5], [sflag:$0x2] =	stream.linear.gather [hbm4b:s4+s3], $0x80, $0x38;
	[tilespmem:$0x800] =	vst v63  }
0x9: {  	_ =	swait.ge [sflag:s6], $0x80  }
0xa: {  	s22 =	sadd.s32 $0x3200, s2;
	[sflag:s6] =	ssyncset.done $0x0  }
0xb: {  	s7 =	sadd.s32 s22, s21;
	[sflag:s6] =	ssyncadd.s32 $0xFFFFFF80  }
0xc: {  	[tilespmem:s3], [sflag:$0x2] =	stream.linear.gather [hbm4b:s7+s3], $0x80, $0x38;
	[tilespmem:$0x800] =	vst v63  }
0xd: {  	_ =	swait.ge [sflag:s6], $0x80  }
0xe: {  	s10 =	sadd.s32 $0x10, s21;
	[sflag:s6] =	ssyncset.done $0x0  }
0xf: {  	s9 =	simm.s32 $0x480;
	s8 =	sadd.s32 s20, s10;
	[sflag:s6] =	ssyncadd.s32 $0xFFFFFF80  }
0x10: {  	[tilespmem:s9], [sflag:$0x2] =	stream.linear.gather [hbm4b:s8+s3], $0x80, $0x38;
	[tilespmem:$0x800] =	vst v63  }
0x11: {  	_ =	swait.ge [sflag:s6], $0x80  }
0x12: {  	[sflag:s6] =	ssyncset.done $0x0  }
0x13: {  	s11 =	simm.s32 $0x80;
	s10 =	sadd.s32 s22, s10;
	[sflag:s6] =	ssyncadd.s32 $0xFFFFFF80  }
0x14: {  	[tilespmem:s11], [sflag:$0x2] =	stream.linear.gather [hbm4b:s10+s3], $0x80, $0x38;
	[tilespmem:$0x800] =	vst v63  }
0x15: {  	_ =	swait.ge [sflag:s6], $0x80  }
0x16: {  	s14 =	sadd.s32 $0x20, s21;
	[sflag:s6] =	ssyncset.done $0x0  }
0x17: {  	s13 =	simm.s32 $0x500;
	s12 =	sadd.s32 s20, s14;
	[sflag:s6] =	ssyncadd.s32 $0xFFFFFF80  }
0x18: {  	[tilespmem:s13], [sflag:$0x2] =	stream.linear.gather [hbm4b:s12+s3], $0x80, $0x38;
	[tilespmem:$0x800] =	vst v63  }
0x19: {  	_ =	swait.ge [sflag:s6], $0x80  }
0x1a: {  	[sflag:s6] =	ssyncset.done $0x0  }
0x1b: {  	s15 =	simm.s32 $0x100;
	s14 =	sadd.s32 s22, s14;
	[sflag:s6] =	ssyncadd.s32 $0xFFFFFF80  }
0x1c: {  	[tilespmem:s15], [sflag:$0x2] =	stream.linear.gather [hbm4b:s14+s3], $0x80, $0x38;
	[tilespmem:$0x800] =	vst v63  }
0x1d: {  	_ =	swait.ge [sflag:s6], $0x80  }
0x1e: {  	s18 =	sadd.s32 $0x30, s21;
	[sflag:s6] =	ssyncset.done $0x0  }
0x1f: {  	s17 =	simm.s32 $0x580;
	s16 =	sadd.s32 s20, s18;
	[sflag:s6] =	ssyncadd.s32 $0xFFFFFF80  }
0x20: {  	[tilespmem:s17], [sflag:$0x2] =	stream.linear.gather [hbm4b:s16+s3], $0x80, $0x38;
	[tilespmem:$0x800] =	vst v63  }
0x21: {  	_ =	swait.ge [sflag:s6], $0x80  }
0x22: {  	[sflag:s6] =	ssyncset.done $0x0  }
0x23: {  	s19 =	simm.s32 $0x180;
	s18 =	sadd.s32 s22, s18;
	[sflag:s6] =	ssyncadd.s32 $0xFFFFFF80  }
0x24: {  	[tilespmem:s19], [sflag:$0x2] =	stream.linear.gather [hbm4b:s18+s3], $0x80, $0x38;
	[tilespmem:$0x800] =	vst v63  }
0x25: {  	_ =	swait.ge [sflag:s6], $0x80  }
0x26: {  	s23 =	sadd.s32 $0x40, s21;
	[sflag:s6] =	ssyncset.done $0x0  }
0x27: {  	s21 =	simm.s32 $0x600;
	s20 =	sadd.s32 s20, s23;
	[sflag:s6] =	ssyncadd.s32 $0xFFFFFF80  }
0x28: {  	[tilespmem:s21], [sflag:$0x2] =	stream.linear.gather [hbm4b:s20+s3], $0x80, $0x38;
	[tilespmem:$0x800] =	vst v63  }
0x29: {  	_ =	swait.ge [sflag:s6], $0x80  }
0x2a: {  	[sflag:s6] =	ssyncset.done $0x0  }
0x2b: {  	s22 =	sadd.s32 s22, s23;
	s23 =	simm.s32 $0x200;
	[sflag:s6] =	ssyncadd.s32 $0xFFFFFF80  }
0x2c: {  	[tilespmem:s23], [sflag:$0x2] =	stream.linear.gather [hbm4b:s22+s3], $0x80, $0x38;
	[tilespmem:$0x800] =	vst v63  }
0x2d: {  	_ =	swait.ge [sflag:s6], $0x80  }
0x2e: {  	[sflag:s6] =	ssyncset.done $0x0  }
0x2f: {  	[sflag:s6] =	ssyncadd.s32 $0xFFFFFF80  }
0x30: {  	[hbm4b:s2+s11] =	stream.indirect.scatter [tilespmem:s5], [sflag:$0x1], $0x1, s3, s11, $0xb8;
	[tilespmem:$0x800] =	vst v63  }
0x31: {  	_ = 	snop  }
0x32: {  	[hbm4b:s2+s11] =	stream.indirect.scatter [tilespmem:s9], [sflag:$0x1], $0x1, s11, s11, $0xb8;
	[tilespmem:$0x800] =	vst v63  }
0x33: {  	_ = 	snop  }
0x34: {  	[hbm4b:s2+s11] =	stream.indirect.scatter [tilespmem:s13], [sflag:$0x1], $0x1, s15, s11, $0xb8;
	[tilespmem:$0x800] =	vst v63  }
0x35: {  	_ = 	snop  }
0x36: {  	[hbm4b:s2+s11] =	stream.indirect.scatter [tilespmem:s17], [sflag:$0x1], $0x1, s19, s11, $0xb8;
	[tilespmem:$0x800] =	vst v63  }
0x37: {  	s24 =	simm.s32 $0x1  }
0x38: {  	[hbm4b:s2+s11] =	stream.indirect.scatter [tilespmem:s21], [sflag:$0x1], $0x1, s23, s11, $0xb8;
	[tilespmem:$0x800] =	vst v63  }
0x39: {  	_ =	swait.ge [sflag:s24], $0x80  }
0x3a: {  	[sflag:s24] =	ssyncset.done $0x0  }
0x3b: {  	[sflag:s24] =	ssyncadd.s32 $0xFFFFFF80  }
0x3c: {  	_ =	swait.ge [sflag:s24], $0x80  }
0x3d: {  	s25 =	ssub.s32 $0x2, s25;
	[sflag:s24] =	ssyncset.done $0x0  }
0x3e: {  	s26 =	sshrl.u32 s25, $0x1;
	[sflag:s24] =	ssyncadd.s32 $0xFFFFFF80  }
0x3f: {  	s25 =	ssub.s32 s25, s26;
	_ =	swait.ge [sflag:s24], $0x80  }
0x40: {  	s25 =	smax.u32 s25, $0x1;
	[sflag:s24] =	ssyncset.done $0x0  }
0x41: {  	p0 =	sne.s32 s25, $0x1;
	[sflag:s24] =	ssyncadd.s32 $0xFFFFFF80  }
.Ltmp0:
0x42: {  	_ =	swait.ge [sflag:s24], $0x80;
	(pc) =	sbr.rel @!p0 .LBB2_2-.Ltmp0, $4  }
0x43: {  	[sflag:s24] =	ssyncset.done $0x0  }
0x44: {  	[sflag:s24] =	ssyncadd.s32 $0xFFFFFF80  }
0x45: {  	_ =	swait.ge [sflag:s24], $0x80  }
0x46: {  	s25 =	sadd.s32 $0xFFFFFFFF, s25;
	[sflag:s24] =	ssyncset.done $0x0  }
.LBB2_1:
0x47: {  	p0 =	sne.s32 s25, $0x1;
	s25 =	sadd.s32 $0xFFFFFFFF, s25;
	[sflag:s24] =	ssyncadd.s32 $0xFFFFFF80  }
0x48: {  	[tilespmem:s5], [sflag:$0x2] =	stream.linear.gather [hbm4b:s4+s3], $0x80, $0x38;
	[tilespmem:$0x800] =	vst v63  }
0x49: {  	_ =	swait.ge [sflag:s6], $0x80  }
0x4a: {  	[sflag:s6] =	ssyncset.done $0x0  }
0x4b: {  	[sflag:s6] =	ssyncadd.s32 $0xFFFFFF80  }
0x4c: {  	[tilespmem:s3], [sflag:$0x2] =	stream.linear.gather [hbm4b:s7+s3], $0x80, $0x38;
	[tilespmem:$0x800] =	vst v63  }
0x4d: {  	_ =	swait.ge [sflag:s6], $0x80  }
0x4e: {  	[sflag:s6] =	ssyncset.done $0x0  }
0x4f: {  	[sflag:s6] =	ssyncadd.s32 $0xFFFFFF80  }
0x50: {  	[tilespmem:s9], [sflag:$0x2] =	stream.linear.gather [hbm4b:s8+s3], $0x80, $0x38;
	[tilespmem:$0x800] =	vst v63  }
0x51: {  	_ =	swait.ge [sflag:s6], $0x80  }
0x52: {  	[sflag:s6] =	ssyncset.done $0x0  }
0x53: {  	[sflag:s6] =	ssyncadd.s32 $0xFFFFFF80  }
0x54: {  	[tilespmem:s11], [sflag:$0x2] =	stream.linear.gather [hbm4b:s10+s3], $0x80, $0x38;
	[tilespmem:$0x800] =	vst v63  }
0x55: {  	_ =	swait.ge [sflag:s6], $0x80  }
0x56: {  	[sflag:s6] =	ssyncset.done $0x0  }
0x57: {  	[sflag:s6] =	ssyncadd.s32 $0xFFFFFF80  }
0x58: {  	[tilespmem:s13], [sflag:$0x2] =	stream.linear.gather [hbm4b:s12+s3], $0x80, $0x38;
	[tilespmem:$0x800] =	vst v63  }
0x59: {  	_ =	swait.ge [sflag:s6], $0x80  }
0x5a: {  	[sflag:s6] =	ssyncset.done $0x0  }
0x5b: {  	[sflag:s6] =	ssyncadd.s32 $0xFFFFFF80  }
0x5c: {  	[tilespmem:s15], [sflag:$0x2] =	stream.linear.gather [hbm4b:s14+s3], $0x80, $0x38;
	[tilespmem:$0x800] =	vst v63  }
0x5d: {  	_ =	swait.ge [sflag:s6], $0x80  }
0x5e: {  	[sflag:s6] =	ssyncset.done $0x0  }
0x5f: {  	[sflag:s6] =	ssyncadd.s32 $0xFFFFFF80  }
0x60: {  	[tilespmem:s17], [sflag:$0x2] =	stream.linear.gather [hbm4b:s16+s3], $0x80, $0x38;
	[tilespmem:$0x800] =	vst v63  }
0x61: {  	_ =	swait.ge [sflag:s6], $0x80  }
0x62: {  	[sflag:s6] =	ssyncset.done $0x0  }
0x63: {  	[sflag:s6] =	ssyncadd.s32 $0xFFFFFF80  }
0x64: {  	[tilespmem:s19], [sflag:$0x2] =	stream.linear.gather [hbm4b:s18+s3], $0x80, $0x38;
	[tilespmem:$0x800] =	vst v63  }
0x65: {  	_ =	swait.ge [sflag:s6], $0x80  }
0x66: {  	[sflag:s6] =	ssyncset.done $0x0  }
0x67: {  	[sflag:s6] =	ssyncadd.s32 $0xFFFFFF80  }
0x68: {  	[tilespmem:s21], [sflag:$0x2] =	stream.linear.gather [hbm4b:s20+s3], $0x80, $0x38;
	[tilespmem:$0x800] =	vst v63  }
0x69: {  	_ =	swait.ge [sflag:s6], $0x80  }
0x6a: {  	[sflag:s6] =	ssyncset.done $0x0  }
0x6b: {  	[sflag:s6] =	ssyncadd.s32 $0xFFFFFF80  }
0x6c: {  	[tilespmem:s23], [sflag:$0x2] =	stream.linear.gather [hbm4b:s22+s3], $0x80, $0x38;
	[tilespmem:$0x800] =	vst v63  }
0x6d: {  	_ =	swait.ge [sflag:s6], $0x80  }
0x6e: {  	[sflag:s6] =	ssyncset.done $0x0  }
0x6f: {  	[sflag:s6] =	ssyncadd.s32 $0xFFFFFF80  }
0x70: {  	[hbm4b:s2+s11] =	stream.indirect.scatter [tilespmem:s5], [sflag:$0x1], $0x1, s3, s11, $0xb8;
	[tilespmem:$0x800] =	vst v63  }
0x71: {  	_ = 	snop  }
0x72: {  	[hbm4b:s2+s11] =	stream.indirect.scatter [tilespmem:s9], [sflag:$0x1], $0x1, s11, s11, $0xb8;
	[tilespmem:$0x800] =	vst v63  }
0x73: {  	_ = 	snop  }
0x74: {  	[hbm4b:s2+s11] =	stream.indirect.scatter [tilespmem:s13], [sflag:$0x1], $0x1, s15, s11, $0xb8;
	[tilespmem:$0x800] =	vst v63  }
0x75: {  	_ = 	snop  }
0x76: {  	[hbm4b:s2+s11] =	stream.indirect.scatter [tilespmem:s17], [sflag:$0x1], $0x1, s19, s11, $0xb8;
	[tilespmem:$0x800] =	vst v63  }
0x77: {  	_ = 	snop  }
0x78: {  	[hbm4b:s2+s11] =	stream.indirect.scatter [tilespmem:s21], [sflag:$0x1], $0x1, s23, s11, $0xb8;
	[tilespmem:$0x800] =	vst v63  }
0x79: {  	_ =	swait.ge [sflag:s24], $0x80  }
0x7a: {  	[sflag:s24] =	ssyncset.done $0x0  }
0x7b: {  	[sflag:s24] =	ssyncadd.s32 $0xFFFFFF80  }
0x7c: {  	_ =	swait.ge [sflag:s24], $0x80  }
0x7d: {  	[sflag:s24] =	ssyncset.done $0x0  }
0x7e: {  	[sflag:s24] =	ssyncadd.s32 $0xFFFFFF80  }
0x7f: {  	_ =	swait.ge [sflag:s24], $0x80  }
0x80: {  	[sflag:s24] =	ssyncset.done $0x0  }
0x81: {  	[sflag:s24] =	ssyncadd.s32 $0xFFFFFF80  }
.Ltmp1:
0x82: {  	_ =	swait.ge [sflag:s24], $0x80;
	(pc) =	sbr.rel @p0 .LBB2_1-.Ltmp1, $4  }
0x83: {  	[sflag:s24] =	ssyncset.done $0x0  }
0x84: {  	[sflag:s24] =	ssyncadd.s32 $0xFFFFFF80  }
0x85: {  	_ =	swait.ge [sflag:s24], $0x80  }
0x86: {  	[sflag:s24] =	ssyncset.done $0x0  }
.LBB2_2:
0x87: {  	[sflag:s24] =	ssyncadd.s32 $0xFFFFFF80  }
0x88: {  	_ =	sfence.sel $0x180000  }
0x89: {  	[bflag:$0x0] =	sbarrier.arrive $0xFFFF  }
0x8a: {  	p0 =	sne.s32 s0, $0x0;
	_ =	strace $0x9000004A  }
0x8b: {  	s0 =	sadd.s32 @!p0 $0x100000, s1;
	[bflag:$0x2] =	sbarrier.arrive $0xFFFF  }
0x8c: {  	[sflag:s0] =	ssyncadd.tile.s32 @!p0 $0x1;
	_ =	shalt  }
.Lfunc_end2:
_tile_overlayer_lowered:
.L_overlay_start_2:
0x8d: {  	(tag) =	ssettag $0x2  }
0x8e: {  	s0 =	rddreg [dreg:$0x0];
	s2 =	stileid.u32  }
0x8f: {  	s1 =	rddreg [dreg:$0x1];
	p0 =	sne.s32 s2, $0x0  }
0x90: {  	s3 =	rddreg [dreg:$0x2];
	[bflag:$0x3] =	sbarrier.arrive $0xFFFF;
	s2 =	simm.s32 @!p0 $0x1C02  }
0x91: {  	[timem:s3], [sflag:s2] =	dma.local @!p0 [hbm:s0], s1  }
0x92: {  	s0 =	simm.s32 @!p0 $0x2  }
0x93: {  	_ =	swait.ge @!p0 [sflag:s0], s1  }
0x94: {  	s1 =	ssub.s32 @!p0 $0x0, s1;
	[sflag:s0] =	ssyncset.done @!p0 $0x0  }
0x95: {  	[sflag:s0] =	ssyncadd.s32 @!p0 s1  }
0x96: {  	[bflag:$0x3] =	sbarrier.arrive $0xFFFF  }
0x97: {  	_ =	shalt  }

</sc_bundles>
